<compile_context>
chip_gen: v7x
topology: tpu7x:2x2x1
jax: 0.10.2.dev20260603
libtpu: 0.0.44.dev20260713+nightly
codegen_flags: <defaults>
</compile_context>

<pallas_src>
import functools

import jax
import jax.numpy as jnp
from jax import lax
from jax.experimental import pallas as pl
from jax.experimental.pallas import tpu as pltpu
from jax.experimental.pallas import tpu_sc as plsc

NW = 32


def _make_sc_lookup(n_b: int, n_l: int):
    nbt = n_b // 128
    nlt = n_l // 8
    bcw = nbt // NW
    nvec = bcw * 64

    mesh = plsc.VectorSubcoreMesh(core_axis_name="c", subcore_axis_name="s")

    @functools.partial(
        pl.kernel,
        out_type=jax.ShapeDtypeStruct((6, nlt, nbt, 8, 128), jnp.float32),
        mesh=mesh,
        scratch_types=[
            pltpu.VMEM((2, bcw, 8, 128), jnp.int32),
            pltpu.VMEM((2, 6, bcw, 8, 128), jnp.float32),
            pltpu.VMEM((64,), jnp.float32),
            pltpu.VMEM((16, 4), jnp.float32),
            pltpu.VMEM((4, 6), jnp.float32),
            pltpu.VMEM((16,), jnp.float32),
            pltpu.SemaphoreType.DMA,
            pltpu.SemaphoreType.DMA,
        ],
        compiler_params=pltpu.CompilerParams(needs_layout_passes=False),
    )
    def sc_lookup(ids_hbm, etab_hbm, w_hbm, b_hbm, out_hbm,
                  ids_v, out_v, tab_v, etab_v, w_v, b_v, sem_in, sem_out):
        wid = lax.axis_index("s") * 2 + lax.axis_index("c")
        bc0 = wid * bcw

        def ids_cp(lt, par):
            return pltpu.make_async_copy(
                ids_hbm.at[lt, pl.ds(bc0, bcw)], ids_v.at[par], sem_in)

        def out_cp(lt, par, e):
            return pltpu.make_async_copy(
                out_v.at[par, e], out_hbm.at[e, lt, pl.ds(bc0, bcw)], sem_out)

        ids_cp(0, 0).start()

        wcps = [pltpu.make_async_copy(etab_hbm, etab_v.at[pl.ds(0, 10)],
                                      sem_out),
                pltpu.make_async_copy(w_hbm, w_v, sem_out),
                pltpu.make_async_copy(b_hbm, b_v.at[pl.ds(0, 6)], sem_out)]
        for cp in wcps:
            cp.start()
        for cp in wcps:
            cp.wait()

        m = lax.iota(jnp.int32, 16)
        for j in range(4):
            p = m + 16 * j
            v = p // 6
            e = p - v * 6
            acc = plsc.load_gather(b_v, [e])
            for d in range(4):
                dd = jnp.full((16,), d, jnp.int32)
                acc = acc + (plsc.load_gather(etab_v, [v, dd])
                             * plsc.load_gather(w_v, [dd, e]))
            tab_v[pl.ds(16 * j, 16)] = acc

        def lt_body(lt, _):
            par = lax.rem(lt, 2)
            ids_cp(lt, par).wait()

            @pl.when(lt + 1 < nlt)
            def _():
                ids_cp(lt + 1, 1 - par).start()

            @pl.when(lt >= 2)
            def _():
                for e in range(6):
                    out_cp(lt - 2, par, e).wait()

            @plsc.parallel_loop(0, nvec, unroll=4)
            def _(j):
                bcl = j // 64
                ls = (j // 8) - bcl * 8
                k = j - (j // 8) * 8
                sl = pl.ds(k * 16, 16)
                id6 = ids_v[par, bcl, ls, sl] * 6
                for e in range(6):
                    out_v[par, e, bcl, ls, sl] = plsc.load_gather(
                        tab_v, [id6 + e])

            for e in range(6):
                out_cp(lt, par, e).start()
            return 0

        lax.fori_loop(0, nlt, lt_body, 0)

        for lt in (nlt - 2, nlt - 1):
            for e in range(6):
                out_cp(lt, lax.rem(lt, 2), e).wait()

    return sc_lookup


def kernel(input_ids, data_tensor, embed_table, out_w, out_b):
    b, l = input_ids.shape
    nbt, nlt = b // 128, l // 8
    ids4 = (input_ids.astype(jnp.int32)
            .reshape(nbt, 128, nlt, 8)
            .transpose(2, 0, 3, 1))
    t = _make_sc_lookup(b, l)(ids4, embed_table, out_w, out_b)
    return t.transpose(2, 4, 1, 3, 0).reshape(b, l, 6)

# --- scband reference (transcript-rebuilt; emitter-appended) ---
"""Pipeline reference for scband-dummy-model-5884105195565 (READ-ONLY COPY).

The authoritative reference and input builder live on the scoring server;
editing this copy changes nothing except your own understanding.
"""

import jax, jax.numpy as jnp
import numpy as np


def setup_inputs(seed: int = 0) -> dict:
    key = jax.random.key(seed)
    k1, k2, k3, k4 = jax.random.split(key, 4)
    # forward args
    input_ids = jax.random.randint(k1, (16384, 200), 0, 10, dtype=jnp.int64)
    data_tensor = jax.random.normal(k2, (16384, 200), dtype=jnp.float32)
    # learned parameters (per module: Embedding(10, 4), Linear(4, 6))
    embed_table = jax.random.normal(k3, (10, 4), dtype=jnp.float32) * 0.02
    out_w = jax.random.normal(k4, (4, 6), dtype=jnp.float32) * 0.05
    out_b = jnp.zeros((6,), dtype=jnp.float32)
    return {
        "input_ids": input_ids,
        "data_tensor": data_tensor,
        "embed_table": embed_table,
        "out_w": out_w,
        "out_b": out_b,
    }


def reference(input_ids, data_tensor, embed_table, out_w, out_b):
    # embedded = self.embed(input_ids.long())
    embedded = jnp.take(embed_table, input_ids.astype(jnp.int32), axis=0)  # [B, L, 4]
    # return self.output(embedded)
    out = jnp.einsum("bld,de->ble", embedded, out_w) + out_b  # [B, L, 6]
    # data_tensor is an unused forward argument in the original module
    return out

if __name__ == "__main__":
    import jax
    _d = setup_inputs()
    print(jax.jit(kernel)(*tuple(_d.values())))

</pallas_src>

<mosaic_0001>
#map = affine_map<(d0, d1) -> (0, 0, 0, 0)>
#map1 = affine_map<(d0, d1) -> (0, 0)>
#map2 = affine_map<(d0, d1) -> (0)>
#map3 = affine_map<(d0, d1) -> (0, 0, 0, 0, 0)>
module attributes {stable_mosaic.version = 14 : i64} {
  func.func @sc_lookup(%arg0: i32, %arg1: i32, %arg2: memref<25x128x8x128xi32, #tpu.memory_space<hbm>>, %arg3: memref<10x4xf32, #tpu.memory_space<hbm>>, %arg4: memref<4x6xf32, #tpu.memory_space<hbm>>, %arg5: memref<6xf32, #tpu.memory_space<hbm>>, %arg6: memref<6x25x128x8x128xf32, #tpu.memory_space<hbm>>, %arg7: memref<2x4x8x128xi32, #tpu.memory_space<vmem>>, %arg8: memref<2x6x4x8x128xf32, #tpu.memory_space<vmem>>, %arg9: memref<64xf32, #tpu.memory_space<vmem>>, %arg10: memref<16x4xf32, #tpu.memory_space<vmem>>, %arg11: memref<4x6xf32, #tpu.memory_space<vmem>>, %arg12: memref<16xf32, #tpu.memory_space<vmem>>, %arg13: memref<!tpu.dma_semaphore, #tpu.memory_space<semaphore_mem>>, %arg14: memref<!tpu.dma_semaphore, #tpu.memory_space<semaphore_mem>>) attributes {dimension_semantics = [#tpu.dimension_semantics<core_parallel>, #tpu.dimension_semantics<subcore_parallel>], iteration_bounds = array<i64: 2, 16>, scalar_prefetch = 0 : i64, scratch_operands = 8 : i64, tpu.core_type = #tpu.core_type<sc_vector_subcore>, window_params = [{transform_indices = #map}, {transform_indices = #map1}, {transform_indices = #map1}, {transform_indices = #map2}, {transform_indices = #map3}]} {
    %mul3A = arith.constant 2 : i32
    %mul3A_0 = arith.muli %arg1, %mul3A : i32
    %add3A = arith.addi %mul3A_0, %arg0 : i32
    %mul3A_1 = arith.constant 4 : i32
    %mul3A_2 = arith.muli %add3A, %mul3A_1 : i32
    %dma_start3A = arith.constant 0 : i32
    %dma_start3A_3 = arith.constant 0 : i32
    %dma_start3A_4 = arith.constant 0 : i32
    %dma_start3A_5 = arith.constant 0 : i32
    %dma_start3A_6 = arith.constant 0 : i32
    %dma_start3A_7 = tpu.memref_slice %arg7[%dma_start3A_3, %dma_start3A_4, %dma_start3A_5, %dma_start3A_6] : memref<2x4x8x128xi32, #tpu.memory_space<vmem>> -> memref<1x4x8x128xi32, #tpu.memory_space<vmem>>
    %dma_start3A_8 = tpu.memref_squeeze %dma_start3A_7 : memref<1x4x8x128xi32, #tpu.memory_space<vmem>> -> memref<4x8x128xi32, #tpu.memory_space<vmem>>
    %dma_start3A_9 = arith.constant 0 : i32
    %dma_start3A_10 = arith.constant 0 : i32
    %dma_start3A_11 = tpu.memref_slice %arg2[%dma_start3A, %mul3A_2, %dma_start3A_9, %dma_start3A_10] : memref<25x128x8x128xi32, #tpu.memory_space<hbm>> -> memref<1x4x8x128xi32, #tpu.memory_space<hbm>>
    %dma_start3A_12 = tpu.memref_squeeze %dma_start3A_11 : memref<1x4x8x128xi32, #tpu.memory_space<hbm>> -> memref<4x8x128xi32, #tpu.memory_space<hbm>>
    %dma_start3A_13 = arith.constant 0 : i32
    %dma_start3A_14 = arith.constant 0 : i32
    %dma_start3A_15 = arith.constant 0 : i32
    %dma_start3A_16 = tpu.memref_slice %arg7[%dma_start3A_3, %dma_start3A_13, %dma_start3A_14, %dma_start3A_15] : memref<2x4x8x128xi32, #tpu.memory_space<vmem>> -> memref<1x4x8x128xi32, #tpu.memory_space<vmem>>
    %dma_start3A_17 = tpu.memref_squeeze %dma_start3A_16 : memref<1x4x8x128xi32, #tpu.memory_space<vmem>> -> memref<4x8x128xi32, #tpu.memory_space<vmem>>
    %dma_start3A_18 = arith.constant 0 : i32
    %dma_start3A_19 = arith.constant 0 : i32
    %dma_start3A_20 = tpu.memref_slice %arg2[%dma_start3A, %mul3A_2, %dma_start3A_18, %dma_start3A_19] : memref<25x128x8x128xi32, #tpu.memory_space<hbm>> -> memref<1x4x8x128xi32, #tpu.memory_space<hbm>>
    %dma_start3A_21 = tpu.memref_squeeze %dma_start3A_20 : memref<1x4x8x128xi32, #tpu.memory_space<hbm>> -> memref<4x8x128xi32, #tpu.memory_space<hbm>>
    tpu.enqueue_dma source(%dma_start3A_21 : memref<4x8x128xi32, #tpu.memory_space<hbm>>) target(%dma_start3A_17 : memref<4x8x128xi32, #tpu.memory_space<vmem>>) target_semaphore(%arg13 : memref<!tpu.dma_semaphore, #tpu.memory_space<semaphore_mem>>)
    %dma_start3A_22 = arith.constant 0 : i32
    %dma_start3A_23 = arith.constant 0 : i32
    %dma_start3A_24 = tpu.memref_slice %arg10[%dma_start3A_22, %dma_start3A_23] : memref<16x4xf32, #tpu.memory_space<vmem>> -> memref<10x4xf32, #tpu.memory_space<vmem>>
    %dma_start3A_25 = arith.constant 0 : i32
    %dma_start3A_26 = arith.constant 0 : i32
    %dma_start3A_27 = tpu.memref_slice %arg10[%dma_start3A_25, %dma_start3A_26] : memref<16x4xf32, #tpu.memory_space<vmem>> -> memref<10x4xf32, #tpu.memory_space<vmem>>
    tpu.enqueue_dma source(%arg3 : memref<10x4xf32, #tpu.memory_space<hbm>>) target(%dma_start3A_27 : memref<10x4xf32, #tpu.memory_space<vmem>>) target_semaphore(%arg14 : memref<!tpu.dma_semaphore, #tpu.memory_space<semaphore_mem>>)
    tpu.enqueue_dma source(%arg4 : memref<4x6xf32, #tpu.memory_space<hbm>>) target(%arg11 : memref<4x6xf32, #tpu.memory_space<vmem>>) target_semaphore(%arg14 : memref<!tpu.dma_semaphore, #tpu.memory_space<semaphore_mem>>)
    %dma_start3A_28 = arith.constant 0 : i32
    %dma_start3A_29 = tpu.memref_slice %arg12[%dma_start3A_28] : memref<16xf32, #tpu.memory_space<vmem>> -> memref<6xf32, #tpu.memory_space<vmem>>
    %dma_start3A_30 = arith.constant 0 : i32
    %dma_start3A_31 = tpu.memref_slice %arg12[%dma_start3A_30] : memref<16xf32, #tpu.memory_space<vmem>> -> memref<6xf32, #tpu.memory_space<vmem>>
    tpu.enqueue_dma source(%arg5 : memref<6xf32, #tpu.memory_space<hbm>>) target(%dma_start3A_31 : memref<6xf32, #tpu.memory_space<vmem>>) target_semaphore(%arg14 : memref<!tpu.dma_semaphore, #tpu.memory_space<semaphore_mem>>)
    %dma_wait3A = arith.constant 0 : i32
    %dma_wait3A_32 = arith.constant 0 : i32
    %dma_wait3A_33 = tpu.memref_slice %arg10[%dma_wait3A, %dma_wait3A_32] : memref<16x4xf32, #tpu.memory_space<vmem>> -> memref<10x4xf32, #tpu.memory_space<vmem>>
    %dma_wait3A_34 = arith.constant 0 : i32
    %dma_wait3A_35 = arith.constant 0 : i32
    %dma_wait3A_36 = tpu.memref_slice %arg10[%dma_wait3A_34, %dma_wait3A_35] : memref<16x4xf32, #tpu.memory_space<vmem>> -> memref<10x4xf32, #tpu.memory_space<vmem>>
    tpu.wait_dma2 semaphore(%arg14 : memref<!tpu.dma_semaphore, #tpu.memory_space<semaphore_mem>>) src(%arg3 : memref<10x4xf32, #tpu.memory_space<hbm>>) dst(%dma_wait3A_36 : memref<10x4xf32, #tpu.memory_space<vmem>>)
    tpu.wait_dma2 semaphore(%arg14 : memref<!tpu.dma_semaphore, #tpu.memory_space<semaphore_mem>>) src(%arg4 : memref<4x6xf32, #tpu.memory_space<hbm>>) dst(%arg11 : memref<4x6xf32, #tpu.memory_space<vmem>>)
    %dma_wait3A_37 = arith.constant 0 : i32
    %dma_wait3A_38 = tpu.memref_slice %arg12[%dma_wait3A_37] : memref<16xf32, #tpu.memory_space<vmem>> -> memref<6xf32, #tpu.memory_space<vmem>>
    %dma_wait3A_39 = arith.constant 0 : i32
    %dma_wait3A_40 = tpu.memref_slice %arg12[%dma_wait3A_39] : memref<16xf32, #tpu.memory_space<vmem>> -> memref<6xf32, #tpu.memory_space<vmem>>
    tpu.wait_dma2 semaphore(%arg14 : memref<!tpu.dma_semaphore, #tpu.memory_space<semaphore_mem>>) src(%arg5 : memref<6xf32, #tpu.memory_space<hbm>>) dst(%dma_wait3A_40 : memref<6xf32, #tpu.memory_space<vmem>>)
    %iota3A = tpu.iota {dimensions = array<i32: 0>} : vector<16xi32>
    %add3A_41 = arith.constant 0 : i32
    %add3A_42 = vector.broadcast %add3A_41 : i32 to vector<16xi32>
    %add3A_43 = arith.addi %iota3A, %add3A_42 : vector<16xi32>
    %jit3A = arith.constant 6 : i32
    %div3A = vector.broadcast %jit3A : i32 to vector<16xi32>
    %div3A_44 = arith.divsi %add3A_43, %div3A : vector<16xi32>
    %sign3A = arith.constant 0 : i32
    %sign3A_45 = vector.broadcast %sign3A : i32 to vector<16xi32>
    %sign3A_46 = arith.cmpi sgt, %add3A_43, %sign3A_45 : vector<16xi32>
    %sign3A_47 = arith.extui %sign3A_46 : vector<16xi1> to vector<16xi32>
    %sign3A_48 = arith.constant 0 : i32
    %sign3A_49 = vector.broadcast %sign3A_48 : i32 to vector<16xi32>
    %sign3A_50 = arith.cmpi slt, %add3A_43, %sign3A_49 : vector<16xi32>
    %sign3A_51 = arith.extui %sign3A_50 : vector<16xi1> to vector<16xi32>
    %sign3A_52 = arith.subi %sign3A_47, %sign3A_51 : vector<16xi32>
    %sign3A_53 = arith.constant 0 : i32
    %sign3A_54 = arith.cmpi sgt, %jit3A, %sign3A_53 : i32
    %sign3A_55 = arith.extui %sign3A_54 : i1 to i32
    %sign3A_56 = arith.constant 0 : i32
    %sign3A_57 = arith.cmpi slt, %jit3A, %sign3A_56 : i32
    %sign3A_58 = arith.extui %sign3A_57 : i1 to i32
    %sign3A_59 = arith.subi %sign3A_55, %sign3A_58 : i32
    %ne3A = vector.broadcast %sign3A_59 : i32 to vector<16xi32>
    %ne3A_60 = arith.cmpi ne, %sign3A_52, %ne3A : vector<16xi32>
    %rem3A = vector.broadcast %jit3A : i32 to vector<16xi32>
    %rem3A_61 = arith.remsi %add3A_43, %rem3A : vector<16xi32>
    %ne3A_62 = arith.constant 0 : i32
    %ne3A_63 = vector.broadcast %ne3A_62 : i32 to vector<16xi32>
    %ne3A_64 = arith.cmpi ne, %rem3A_61, %ne3A_63 : vector<16xi32>
    %and3A = arith.andi %ne3A_60, %ne3A_64 : vector<16xi1>
    %sub3A = arith.constant 1 : i32
    %sub3A_65 = vector.broadcast %sub3A : i32 to vector<16xi32>
    %sub3A_66 = arith.subi %div3A_44, %sub3A_65 : vector<16xi32>
    %select_n3A = arith.select %and3A, %sub3A_66, %div3A_44 : vector<16xi1>, vector<16xi32>
    %mul3A_67 = arith.constant 6 : i32
    %mul3A_68 = vector.broadcast %mul3A_67 : i32 to vector<16xi32>
    %mul3A_69 = arith.muli %select_n3A, %mul3A_68 : vector<16xi32>
    %sub3A_70 = arith.subi %add3A_43, %mul3A_69 : vector<16xi32>
    %gather3A = tpu.vector_load_idx %arg12[%sub3A_70] : memref<16xf32, #tpu.memory_space<vmem>>[vector<16xi32>], vector<16xf32>,
    %broadcast_in_dim3A = arith.constant 0 : i32
    %broadcast_in_dim3A_71 = vector.broadcast %broadcast_in_dim3A : i32 to vector<16xi32>
    %gather3A_72 = tpu.vector_load_idx %arg10[%select_n3A, %broadcast_in_dim3A_71] : memref<16x4xf32, #tpu.memory_space<vmem>>[vector<16xi32>, vector<16xi32>], vector<16xf32>,
    %gather3A_73 = tpu.vector_load_idx %arg11[%broadcast_in_dim3A_71, %sub3A_70] : memref<4x6xf32, #tpu.memory_space<vmem>>[vector<16xi32>, vector<16xi32>], vector<16xf32>,
    %mul3A_74 = arith.mulf %gather3A_72, %gather3A_73 : vector<16xf32>
    %add3A_75 = arith.addf %gather3A, %mul3A_74 : vector<16xf32>
    %broadcast_in_dim3A_76 = arith.constant 1 : i32
    %broadcast_in_dim3A_77 = vector.broadcast %broadcast_in_dim3A_76 : i32 to vector<16xi32>
    %gather3A_78 = tpu.vector_load_idx %arg10[%select_n3A, %broadcast_in_dim3A_77] : memref<16x4xf32, #tpu.memory_space<vmem>>[vector<16xi32>, vector<16xi32>], vector<16xf32>,
    %gather3A_79 = tpu.vector_load_idx %arg11[%broadcast_in_dim3A_77, %sub3A_70] : memref<4x6xf32, #tpu.memory_space<vmem>>[vector<16xi32>, vector<16xi32>], vector<16xf32>,
    %mul3A_80 = arith.mulf %gather3A_78, %gather3A_79 : vector<16xf32>
    %add3A_81 = arith.addf %add3A_75, %mul3A_80 : vector<16xf32>
    %broadcast_in_dim3A_82 = arith.constant 2 : i32
    %broadcast_in_dim3A_83 = vector.broadcast %broadcast_in_dim3A_82 : i32 to vector<16xi32>
    %gather3A_84 = tpu.vector_load_idx %arg10[%select_n3A, %broadcast_in_dim3A_83] : memref<16x4xf32, #tpu.memory_space<vmem>>[vector<16xi32>, vector<16xi32>], vector<16xf32>,
    %gather3A_85 = tpu.vector_load_idx %arg11[%broadcast_in_dim3A_83, %sub3A_70] : memref<4x6xf32, #tpu.memory_space<vmem>>[vector<16xi32>, vector<16xi32>], vector<16xf32>,
    %mul3A_86 = arith.mulf %gather3A_84, %gather3A_85 : vector<16xf32>
    %add3A_87 = arith.addf %add3A_81, %mul3A_86 : vector<16xf32>
    %broadcast_in_dim3A_88 = arith.constant 3 : i32
    %broadcast_in_dim3A_89 = vector.broadcast %broadcast_in_dim3A_88 : i32 to vector<16xi32>
    %gather3A_90 = tpu.vector_load_idx %arg10[%select_n3A, %broadcast_in_dim3A_89] : memref<16x4xf32, #tpu.memory_space<vmem>>[vector<16xi32>, vector<16xi32>], vector<16xf32>,
    %gather3A_91 = tpu.vector_load_idx %arg11[%broadcast_in_dim3A_89, %sub3A_70] : memref<4x6xf32, #tpu.memory_space<vmem>>[vector<16xi32>, vector<16xi32>], vector<16xf32>,
    %mul3A_92 = arith.mulf %gather3A_90, %gather3A_91 : vector<16xf32>
    %add3A_93 = arith.addf %add3A_87, %mul3A_92 : vector<16xf32>
    %swap3A = arith.constant 0 : index
    %swap3A_94 = tpu.vector_load %arg9[%swap3A] {strides = array<i32>} : memref<64xf32, #tpu.memory_space<vmem>>, vector<16xf32>,
    tpu.vector_store %arg9[%swap3A], %add3A_93 {strides = array<i32>} : memref<64xf32, #tpu.memory_space<vmem>>, vector<16xf32>,
    %add3A_95 = arith.constant 16 : i32
    %add3A_96 = vector.broadcast %add3A_95 : i32 to vector<16xi32>
    %add3A_97 = arith.addi %iota3A, %add3A_96 : vector<16xi32>
    %jit3A_98 = arith.constant 6 : i32
    %div3A_99 = vector.broadcast %jit3A_98 : i32 to vector<16xi32>
    %div3A_100 = arith.divsi %add3A_97, %div3A_99 : vector<16xi32>
    %sign3A_101 = arith.constant 0 : i32
    %sign3A_102 = vector.broadcast %sign3A_101 : i32 to vector<16xi32>
    %sign3A_103 = arith.cmpi sgt, %add3A_97, %sign3A_102 : vector<16xi32>
    %sign3A_104 = arith.extui %sign3A_103 : vector<16xi1> to vector<16xi32>
    %sign3A_105 = arith.constant 0 : i32
    %sign3A_106 = vector.broadcast %sign3A_105 : i32 to vector<16xi32>
    %sign3A_107 = arith.cmpi slt, %add3A_97, %sign3A_106 : vector<16xi32>
    %sign3A_108 = arith.extui %sign3A_107 : vector<16xi1> to vector<16xi32>
    %sign3A_109 = arith.subi %sign3A_104, %sign3A_108 : vector<16xi32>
    %sign3A_110 = arith.constant 0 : i32
    %sign3A_111 = arith.cmpi sgt, %jit3A_98, %sign3A_110 : i32
    %sign3A_112 = arith.extui %sign3A_111 : i1 to i32
    %sign3A_113 = arith.constant 0 : i32
    %sign3A_114 = arith.cmpi slt, %jit3A_98, %sign3A_113 : i32
    %sign3A_115 = arith.extui %sign3A_114 : i1 to i32
    %sign3A_116 = arith.subi %sign3A_112, %sign3A_115 : i32
    %ne3A_117 = vector.broadcast %sign3A_116 : i32 to vector<16xi32>
    %ne3A_118 = arith.cmpi ne, %sign3A_109, %ne3A_117 : vector<16xi32>
    %rem3A_119 = vector.broadcast %jit3A_98 : i32 to vector<16xi32>
    %rem3A_120 = arith.remsi %add3A_97, %rem3A_119 : vector<16xi32>
    %ne3A_121 = arith.constant 0 : i32
    %ne3A_122 = vector.broadcast %ne3A_121 : i32 to vector<16xi32>
    %ne3A_123 = arith.cmpi ne, %rem3A_120, %ne3A_122 : vector<16xi32>
    %and3A_124 = arith.andi %ne3A_118, %ne3A_123 : vector<16xi1>
    %sub3A_125 = arith.constant 1 : i32
    %sub3A_126 = vector.broadcast %sub3A_125 : i32 to vector<16xi32>
    %sub3A_127 = arith.subi %div3A_100, %sub3A_126 : vector<16xi32>
    %select_n3A_128 = arith.select %and3A_124, %sub3A_127, %div3A_100 : vector<16xi1>, vector<16xi32>
    %mul3A_129 = arith.constant 6 : i32
    %mul3A_130 = vector.broadcast %mul3A_129 : i32 to vector<16xi32>
    %mul3A_131 = arith.muli %select_n3A_128, %mul3A_130 : vector<16xi32>
    %sub3A_132 = arith.subi %add3A_97, %mul3A_131 : vector<16xi32>
    %gather3A_133 = tpu.vector_load_idx %arg12[%sub3A_132] : memref<16xf32, #tpu.memory_space<vmem>>[vector<16xi32>], vector<16xf32>,
    %broadcast_in_dim3A_134 = arith.constant 0 : i32
    %broadcast_in_dim3A_135 = vector.broadcast %broadcast_in_dim3A_134 : i32 to vector<16xi32>
    %gather3A_136 = tpu.vector_load_idx %arg10[%select_n3A_128, %broadcast_in_dim3A_135] : memref<16x4xf32, #tpu.memory_space<vmem>>[vector<16xi32>, vector<16xi32>], vector<16xf32>,
    %gather3A_137 = tpu.vector_load_idx %arg11[%broadcast_in_dim3A_135, %sub3A_132] : memref<4x6xf32, #tpu.memory_space<vmem>>[vector<16xi32>, vector<16xi32>], vector<16xf32>,
    %mul3A_138 = arith.mulf %gather3A_136, %gather3A_137 : vector<16xf32>
    %add3A_139 = arith.addf %gather3A_133, %mul3A_138 : vector<16xf32>
    %broadcast_in_dim3A_140 = arith.constant 1 : i32
    %broadcast_in_dim3A_141 = vector.broadcast %broadcast_in_dim3A_140 : i32 to vector<16xi32>
    %gather3A_142 = tpu.vector_load_idx %arg10[%select_n3A_128, %broadcast_in_dim3A_141] : memref<16x4xf32, #tpu.memory_space<vmem>>[vector<16xi32>, vector<16xi32>], vector<16xf32>,
    %gather3A_143 = tpu.vector_load_idx %arg11[%broadcast_in_dim3A_141, %sub3A_132] : memref<4x6xf32, #tpu.memory_space<vmem>>[vector<16xi32>, vector<16xi32>], vector<16xf32>,
    %mul3A_144 = arith.mulf %gather3A_142, %gather3A_143 : vector<16xf32>
    %add3A_145 = arith.addf %add3A_139, %mul3A_144 : vector<16xf32>
    %broadcast_in_dim3A_146 = arith.constant 2 : i32
    %broadcast_in_dim3A_147 = vector.broadcast %broadcast_in_dim3A_146 : i32 to vector<16xi32>
    %gather3A_148 = tpu.vector_load_idx %arg10[%select_n3A_128, %broadcast_in_dim3A_147] : memref<16x4xf32, #tpu.memory_space<vmem>>[vector<16xi32>, vector<16xi32>], vector<16xf32>,
    %gather3A_149 = tpu.vector_load_idx %arg11[%broadcast_in_dim3A_147, %sub3A_132] : memref<4x6xf32, #tpu.memory_space<vmem>>[vector<16xi32>, vector<16xi32>], vector<16xf32>,
    %mul3A_150 = arith.mulf %gather3A_148, %gather3A_149 : vector<16xf32>
    %add3A_151 = arith.addf %add3A_145, %mul3A_150 : vector<16xf32>
    %broadcast_in_dim3A_152 = arith.constant 3 : i32
    %broadcast_in_dim3A_153 = vector.broadcast %broadcast_in_dim3A_152 : i32 to vector<16xi32>
    %gather3A_154 = tpu.vector_load_idx %arg10[%select_n3A_128, %broadcast_in_dim3A_153] : memref<16x4xf32, #tpu.memory_space<vmem>>[vector<16xi32>, vector<16xi32>], vector<16xf32>,
    %gather3A_155 = tpu.vector_load_idx %arg11[%broadcast_in_dim3A_153, %sub3A_132] : memref<4x6xf32, #tpu.memory_space<vmem>>[vector<16xi32>, vector<16xi32>], vector<16xf32>,
    %mul3A_156 = arith.mulf %gather3A_154, %gather3A_155 : vector<16xf32>
    %add3A_157 = arith.addf %add3A_151, %mul3A_156 : vector<16xf32>
    %swap3A_158 = arith.constant 16 : index
    %swap3A_159 = tpu.vector_load %arg9[%swap3A_158] {strides = array<i32>} : memref<64xf32, #tpu.memory_space<vmem>>, vector<16xf32>,
    tpu.vector_store %arg9[%swap3A_158], %add3A_157 {strides = array<i32>} : memref<64xf32, #tpu.memory_space<vmem>>, vector<16xf32>,
    %add3A_160 = arith.constant 32 : i32
    %add3A_161 = vector.broadcast %add3A_160 : i32 to vector<16xi32>
    %add3A_162 = arith.addi %iota3A, %add3A_161 : vector<16xi32>
    %jit3A_163 = arith.constant 6 : i32
    %div3A_164 = vector.broadcast %jit3A_163 : i32 to vector<16xi32>
    %div3A_165 = arith.divsi %add3A_162, %div3A_164 : vector<16xi32>
    %sign3A_166 = arith.constant 0 : i32
    %sign3A_167 = vector.broadcast %sign3A_166 : i32 to vector<16xi32>
    %sign3A_168 = arith.cmpi sgt, %add3A_162, %sign3A_167 : vector<16xi32>
    %sign3A_169 = arith.extui %sign3A_168 : vector<16xi1> to vector<16xi32>
    %sign3A_170 = arith.constant 0 : i32
    %sign3A_171 = vector.broadcast %sign3A_170 : i32 to vector<16xi32>
    %sign3A_172 = arith.cmpi slt, %add3A_162, %sign3A_171 : vector<16xi32>
    %sign3A_173 = arith.extui %sign3A_172 : vector<16xi1> to vector<16xi32>
    %sign3A_174 = arith.subi %sign3A_169, %sign3A_173 : vector<16xi32>
    %sign3A_175 = arith.constant 0 : i32
    %sign3A_176 = arith.cmpi sgt, %jit3A_163, %sign3A_175 : i32
    %sign3A_177 = arith.extui %sign3A_176 : i1 to i32
    %sign3A_178 = arith.constant 0 : i32
    %sign3A_179 = arith.cmpi slt, %jit3A_163, %sign3A_178 : i32
    %sign3A_180 = arith.extui %sign3A_179 : i1 to i32
    %sign3A_181 = arith.subi %sign3A_177, %sign3A_180 : i32
    %ne3A_182 = vector.broadcast %sign3A_181 : i32 to vector<16xi32>
    %ne3A_183 = arith.cmpi ne, %sign3A_174, %ne3A_182 : vector<16xi32>
    %rem3A_184 = vector.broadcast %jit3A_163 : i32 to vector<16xi32>
    %rem3A_185 = arith.remsi %add3A_162, %rem3A_184 : vector<16xi32>
    %ne3A_186 = arith.constant 0 : i32
    %ne3A_187 = vector.broadcast %ne3A_186 : i32 to vector<16xi32>
    %ne3A_188 = arith.cmpi ne, %rem3A_185, %ne3A_187 : vector<16xi32>
    %and3A_189 = arith.andi %ne3A_183, %ne3A_188 : vector<16xi1>
    %sub3A_190 = arith.constant 1 : i32
    %sub3A_191 = vector.broadcast %sub3A_190 : i32 to vector<16xi32>
    %sub3A_192 = arith.subi %div3A_165, %sub3A_191 : vector<16xi32>
    %select_n3A_193 = arith.select %and3A_189, %sub3A_192, %div3A_165 : vector<16xi1>, vector<16xi32>
    %mul3A_194 = arith.constant 6 : i32
    %mul3A_195 = vector.broadcast %mul3A_194 : i32 to vector<16xi32>
    %mul3A_196 = arith.muli %select_n3A_193, %mul3A_195 : vector<16xi32>
    %sub3A_197 = arith.subi %add3A_162, %mul3A_196 : vector<16xi32>
    %gather3A_198 = tpu.vector_load_idx %arg12[%sub3A_197] : memref<16xf32, #tpu.memory_space<vmem>>[vector<16xi32>], vector<16xf32>,
    %broadcast_in_dim3A_199 = arith.constant 0 : i32
    %broadcast_in_dim3A_200 = vector.broadcast %broadcast_in_dim3A_199 : i32 to vector<16xi32>
    %gather3A_201 = tpu.vector_load_idx %arg10[%select_n3A_193, %broadcast_in_dim3A_200] : memref<16x4xf32, #tpu.memory_space<vmem>>[vector<16xi32>, vector<16xi32>], vector<16xf32>,
    %gather3A_202 = tpu.vector_load_idx %arg11[%broadcast_in_dim3A_200, %sub3A_197] : memref<4x6xf32, #tpu.memory_space<vmem>>[vector<16xi32>, vector<16xi32>], vector<16xf32>,
    %mul3A_203 = arith.mulf %gather3A_201, %gather3A_202 : vector<16xf32>
    %add3A_204 = arith.addf %gather3A_198, %mul3A_203 : vector<16xf32>
    %broadcast_in_dim3A_205 = arith.constant 1 : i32
    %broadcast_in_dim3A_206 = vector.broadcast %broadcast_in_dim3A_205 : i32 to vector<16xi32>
    %gather3A_207 = tpu.vector_load_idx %arg10[%select_n3A_193, %broadcast_in_dim3A_206] : memref<16x4xf32, #tpu.memory_space<vmem>>[vector<16xi32>, vector<16xi32>], vector<16xf32>,
    %gather3A_208 = tpu.vector_load_idx %arg11[%broadcast_in_dim3A_206, %sub3A_197] : memref<4x6xf32, #tpu.memory_space<vmem>>[vector<16xi32>, vector<16xi32>], vector<16xf32>,
    %mul3A_209 = arith.mulf %gather3A_207, %gather3A_208 : vector<16xf32>
    %add3A_210 = arith.addf %add3A_204, %mul3A_209 : vector<16xf32>
    %broadcast_in_dim3A_211 = arith.constant 2 : i32
    %broadcast_in_dim3A_212 = vector.broadcast %broadcast_in_dim3A_211 : i32 to vector<16xi32>
    %gather3A_213 = tpu.vector_load_idx %arg10[%select_n3A_193, %broadcast_in_dim3A_212] : memref<16x4xf32, #tpu.memory_space<vmem>>[vector<16xi32>, vector<16xi32>], vector<16xf32>,
    %gather3A_214 = tpu.vector_load_idx %arg11[%broadcast_in_dim3A_212, %sub3A_197] : memref<4x6xf32, #tpu.memory_space<vmem>>[vector<16xi32>, vector<16xi32>], vector<16xf32>,
    %mul3A_215 = arith.mulf %gather3A_213, %gather3A_214 : vector<16xf32>
    %add3A_216 = arith.addf %add3A_210, %mul3A_215 : vector<16xf32>
    %broadcast_in_dim3A_217 = arith.constant 3 : i32
    %broadcast_in_dim3A_218 = vector.broadcast %broadcast_in_dim3A_217 : i32 to vector<16xi32>
    %gather3A_219 = tpu.vector_load_idx %arg10[%select_n3A_193, %broadcast_in_dim3A_218] : memref<16x4xf32, #tpu.memory_space<vmem>>[vector<16xi32>, vector<16xi32>], vector<16xf32>,
    %gather3A_220 = tpu.vector_load_idx %arg11[%broadcast_in_dim3A_218, %sub3A_197] : memref<4x6xf32, #tpu.memory_space<vmem>>[vector<16xi32>, vector<16xi32>], vector<16xf32>,
    %mul3A_221 = arith.mulf %gather3A_219, %gather3A_220 : vector<16xf32>
    %add3A_222 = arith.addf %add3A_216, %mul3A_221 : vector<16xf32>
    %swap3A_223 = arith.constant 32 : index
    %swap3A_224 = tpu.vector_load %arg9[%swap3A_223] {strides = array<i32>} : memref<64xf32, #tpu.memory_space<vmem>>, vector<16xf32>,
    tpu.vector_store %arg9[%swap3A_223], %add3A_222 {strides = array<i32>} : memref<64xf32, #tpu.memory_space<vmem>>, vector<16xf32>,
    %add3A_225 = arith.constant 48 : i32
    %add3A_226 = vector.broadcast %add3A_225 : i32 to vector<16xi32>
    %add3A_227 = arith.addi %iota3A, %add3A_226 : vector<16xi32>
    %jit3A_228 = arith.constant 6 : i32
    %div3A_229 = vector.broadcast %jit3A_228 : i32 to vector<16xi32>
    %div3A_230 = arith.divsi %add3A_227, %div3A_229 : vector<16xi32>
    %sign3A_231 = arith.constant 0 : i32
    %sign3A_232 = vector.broadcast %sign3A_231 : i32 to vector<16xi32>
    %sign3A_233 = arith.cmpi sgt, %add3A_227, %sign3A_232 : vector<16xi32>
    %sign3A_234 = arith.extui %sign3A_233 : vector<16xi1> to vector<16xi32>
    %sign3A_235 = arith.constant 0 : i32
    %sign3A_236 = vector.broadcast %sign3A_235 : i32 to vector<16xi32>
    %sign3A_237 = arith.cmpi slt, %add3A_227, %sign3A_236 : vector<16xi32>
    %sign3A_238 = arith.extui %sign3A_237 : vector<16xi1> to vector<16xi32>
    %sign3A_239 = arith.subi %sign3A_234, %sign3A_238 : vector<16xi32>
    %sign3A_240 = arith.constant 0 : i32
    %sign3A_241 = arith.cmpi sgt, %jit3A_228, %sign3A_240 : i32
    %sign3A_242 = arith.extui %sign3A_241 : i1 to i32
    %sign3A_243 = arith.constant 0 : i32
    %sign3A_244 = arith.cmpi slt, %jit3A_228, %sign3A_243 : i32
    %sign3A_245 = arith.extui %sign3A_244 : i1 to i32
    %sign3A_246 = arith.subi %sign3A_242, %sign3A_245 : i32
    %ne3A_247 = vector.broadcast %sign3A_246 : i32 to vector<16xi32>
    %ne3A_248 = arith.cmpi ne, %sign3A_239, %ne3A_247 : vector<16xi32>
    %rem3A_249 = vector.broadcast %jit3A_228 : i32 to vector<16xi32>
    %rem3A_250 = arith.remsi %add3A_227, %rem3A_249 : vector<16xi32>
    %ne3A_251 = arith.constant 0 : i32
    %ne3A_252 = vector.broadcast %ne3A_251 : i32 to vector<16xi32>
    %ne3A_253 = arith.cmpi ne, %rem3A_250, %ne3A_252 : vector<16xi32>
    %and3A_254 = arith.andi %ne3A_248, %ne3A_253 : vector<16xi1>
    %sub3A_255 = arith.constant 1 : i32
    %sub3A_256 = vector.broadcast %sub3A_255 : i32 to vector<16xi32>
    %sub3A_257 = arith.subi %div3A_230, %sub3A_256 : vector<16xi32>
    %select_n3A_258 = arith.select %and3A_254, %sub3A_257, %div3A_230 : vector<16xi1>, vector<16xi32>
    %mul3A_259 = arith.constant 6 : i32
    %mul3A_260 = vector.broadcast %mul3A_259 : i32 to vector<16xi32>
    %mul3A_261 = arith.muli %select_n3A_258, %mul3A_260 : vector<16xi32>
    %sub3A_262 = arith.subi %add3A_227, %mul3A_261 : vector<16xi32>
    %gather3A_263 = tpu.vector_load_idx %arg12[%sub3A_262] : memref<16xf32, #tpu.memory_space<vmem>>[vector<16xi32>], vector<16xf32>,
    %broadcast_in_dim3A_264 = arith.constant 0 : i32
    %broadcast_in_dim3A_265 = vector.broadcast %broadcast_in_dim3A_264 : i32 to vector<16xi32>
    %gather3A_266 = tpu.vector_load_idx %arg10[%select_n3A_258, %broadcast_in_dim3A_265] : memref<16x4xf32, #tpu.memory_space<vmem>>[vector<16xi32>, vector<16xi32>], vector<16xf32>,
    %gather3A_267 = tpu.vector_load_idx %arg11[%broadcast_in_dim3A_265, %sub3A_262] : memref<4x6xf32, #tpu.memory_space<vmem>>[vector<16xi32>, vector<16xi32>], vector<16xf32>,
    %mul3A_268 = arith.mulf %gather3A_266, %gather3A_267 : vector<16xf32>
    %add3A_269 = arith.addf %gather3A_263, %mul3A_268 : vector<16xf32>
    %broadcast_in_dim3A_270 = arith.constant 1 : i32
    %broadcast_in_dim3A_271 = vector.broadcast %broadcast_in_dim3A_270 : i32 to vector<16xi32>
    %gather3A_272 = tpu.vector_load_idx %arg10[%select_n3A_258, %broadcast_in_dim3A_271] : memref<16x4xf32, #tpu.memory_space<vmem>>[vector<16xi32>, vector<16xi32>], vector<16xf32>,
    %gather3A_273 = tpu.vector_load_idx %arg11[%broadcast_in_dim3A_271, %sub3A_262] : memref<4x6xf32, #tpu.memory_space<vmem>>[vector<16xi32>, vector<16xi32>], vector<16xf32>,
    %mul3A_274 = arith.mulf %gather3A_272, %gather3A_273 : vector<16xf32>
    %add3A_275 = arith.addf %add3A_269, %mul3A_274 : vector<16xf32>
    %broadcast_in_dim3A_276 = arith.constant 2 : i32
    %broadcast_in_dim3A_277 = vector.broadcast %broadcast_in_dim3A_276 : i32 to vector<16xi32>
    %gather3A_278 = tpu.vector_load_idx %arg10[%select_n3A_258, %broadcast_in_dim3A_277] : memref<16x4xf32, #tpu.memory_space<vmem>>[vector<16xi32>, vector<16xi32>], vector<16xf32>,
    %gather3A_279 = tpu.vector_load_idx %arg11[%broadcast_in_dim3A_277, %sub3A_262] : memref<4x6xf32, #tpu.memory_space<vmem>>[vector<16xi32>, vector<16xi32>], vector<16xf32>,
    %mul3A_280 = arith.mulf %gather3A_278, %gather3A_279 : vector<16xf32>
    %add3A_281 = arith.addf %add3A_275, %mul3A_280 : vector<16xf32>
    %broadcast_in_dim3A_282 = arith.constant 3 : i32
    %broadcast_in_dim3A_283 = vector.broadcast %broadcast_in_dim3A_282 : i32 to vector<16xi32>
    %gather3A_284 = tpu.vector_load_idx %arg10[%select_n3A_258, %broadcast_in_dim3A_283] : memref<16x4xf32, #tpu.memory_space<vmem>>[vector<16xi32>, vector<16xi32>], vector<16xf32>,
    %gather3A_285 = tpu.vector_load_idx %arg11[%broadcast_in_dim3A_283, %sub3A_262] : memref<4x6xf32, #tpu.memory_space<vmem>>[vector<16xi32>, vector<16xi32>], vector<16xf32>,
    %mul3A_286 = arith.mulf %gather3A_284, %gather3A_285 : vector<16xf32>
    %add3A_287 = arith.addf %add3A_281, %mul3A_286 : vector<16xf32>
    %swap3A_288 = arith.constant 48 : index
    %swap3A_289 = tpu.vector_load %arg9[%swap3A_288] {strides = array<i32>} : memref<64xf32, #tpu.memory_space<vmem>>, vector<16xf32>,
    tpu.vector_store %arg9[%swap3A_288], %add3A_287 {strides = array<i32>} : memref<64xf32, #tpu.memory_space<vmem>>, vector<16xf32>,
    %scan3A = arith.constant 0 : i32
    %scan3A_290 = arith.constant 0 : i32
    %scan3A_291 = arith.constant 25 : i32
    %scan3A_292 = arith.addi %scan3A_290, %scan3A_291 : i32
    %scan3A_293 = arith.constant 1 : i32
    %scan3A_294 = scf.for %scan3A_584 = %scan3A_290 to %scan3A_292 step %scan3A_293 iter_args(%scan3A_585 = %scan3A) -> (i32)  : i32 {
      %rem3A_586 = arith.constant 2 : i32
      %rem3A_587 = arith.remsi %scan3A_584, %rem3A_586 : i32
      %dma_wait3A_588 = arith.constant 0 : i32
      %dma_wait3A_589 = arith.constant 0 : i32
      %dma_wait3A_590 = arith.constant 0 : i32
      %dma_wait3A_591 = tpu.memref_slice %arg7[%rem3A_587, %dma_wait3A_588, %dma_wait3A_589, %dma_wait3A_590] : memref<2x4x8x128xi32, #tpu.memory_space<vmem>> -> memref<1x4x8x128xi32, #tpu.memory_space<vmem>>
      %dma_wait3A_592 = tpu.memref_squeeze %dma_wait3A_591 : memref<1x4x8x128xi32, #tpu.memory_space<vmem>> -> memref<4x8x128xi32, #tpu.memory_space<vmem>>
      %dma_wait3A_593 = arith.constant 0 : i32
      %dma_wait3A_594 = arith.constant 0 : i32
      %dma_wait3A_595 = tpu.memref_slice %arg2[%scan3A_584, %mul3A_2, %dma_wait3A_593, %dma_wait3A_594] : memref<25x128x8x128xi32, #tpu.memory_space<hbm>> -> memref<1x4x8x128xi32, #tpu.memory_space<hbm>>
      %dma_wait3A_596 = tpu.memref_squeeze %dma_wait3A_595 : memref<1x4x8x128xi32, #tpu.memory_space<hbm>> -> memref<4x8x128xi32, #tpu.memory_space<hbm>>
      %dma_wait3A_597 = arith.constant 0 : i32
      %dma_wait3A_598 = arith.constant 0 : i32
      %dma_wait3A_599 = arith.constant 0 : i32
      %dma_wait3A_600 = tpu.memref_slice %arg7[%rem3A_587, %dma_wait3A_597, %dma_wait3A_598, %dma_wait3A_599] : memref<2x4x8x128xi32, #tpu.memory_space<vmem>> -> memref<1x4x8x128xi32, #tpu.memory_space<vmem>>
      %dma_wait3A_601 = tpu.memref_squeeze %dma_wait3A_600 : memref<1x4x8x128xi32, #tpu.memory_space<vmem>> -> memref<4x8x128xi32, #tpu.memory_space<vmem>>
      %dma_wait3A_602 = arith.constant 0 : i32
      %dma_wait3A_603 = arith.constant 0 : i32
      %dma_wait3A_604 = tpu.memref_slice %arg2[%scan3A_584, %mul3A_2, %dma_wait3A_602, %dma_wait3A_603] : memref<25x128x8x128xi32, #tpu.memory_space<hbm>> -> memref<1x4x8x128xi32, #tpu.memory_space<hbm>>
      %dma_wait3A_605 = tpu.memref_squeeze %dma_wait3A_604 : memref<1x4x8x128xi32, #tpu.memory_space<hbm>> -> memref<4x8x128xi32, #tpu.memory_space<hbm>>
      tpu.wait_dma2 semaphore(%arg13 : memref<!tpu.dma_semaphore, #tpu.memory_space<semaphore_mem>>) src(%dma_wait3A_605 : memref<4x8x128xi32, #tpu.memory_space<hbm>>) dst(%dma_wait3A_601 : memref<4x8x128xi32, #tpu.memory_space<vmem>>)
      %add3A_606 = arith.constant 1 : i32
      %add3A_607 = arith.addi %scan3A_584, %add3A_606 : i32
      %lt3A = arith.constant 25 : i32
      %lt3A_608 = arith.cmpi slt, %add3A_607, %lt3A : i32
      %convert_element_type3A = arith.extui %lt3A_608 : i1 to i32
      %cond3A = arith.constant 0 : i32
      %cond3A_609 = arith.cmpi ne, %convert_element_type3A, %cond3A : i32
      scf.if %cond3A_609 {
        %add3A_737 = arith.constant 1 : i32
        %add3A_738 = arith.addi %scan3A_584, %add3A_737 : i32
        %sub3A_739 = arith.constant 1 : i32
        %sub3A_740 = arith.subi %sub3A_739, %rem3A_587 : i32
        %dma_start3A_741 = arith.constant 0 : i32
        %dma_start3A_742 = arith.constant 0 : i32
        %dma_start3A_743 = arith.constant 0 : i32
        %dma_start3A_744 = tpu.memref_slice %arg7[%sub3A_740, %dma_start3A_741, %dma_start3A_742, %dma_start3A_743] : memref<2x4x8x128xi32, #tpu.memory_space<vmem>> -> memref<1x4x8x128xi32, #tpu.memory_space<vmem>>
        %dma_start3A_745 = tpu.memref_squeeze %dma_start3A_744 : memref<1x4x8x128xi32, #tpu.memory_space<vmem>> -> memref<4x8x128xi32, #tpu.memory_space<vmem>>
        %dma_start3A_746 = arith.constant 0 : i32
        %dma_start3A_747 = arith.constant 0 : i32
        %dma_start3A_748 = tpu.memref_slice %arg2[%add3A_738, %mul3A_2, %dma_start3A_746, %dma_start3A_747] : memref<25x128x8x128xi32, #tpu.memory_space<hbm>> -> memref<1x4x8x128xi32, #tpu.memory_space<hbm>>
        %dma_start3A_749 = tpu.memref_squeeze %dma_start3A_748 : memref<1x4x8x128xi32, #tpu.memory_space<hbm>> -> memref<4x8x128xi32, #tpu.memory_space<hbm>>
        %dma_start3A_750 = arith.constant 0 : i32
        %dma_start3A_751 = arith.constant 0 : i32
        %dma_start3A_752 = arith.constant 0 : i32
        %dma_start3A_753 = tpu.memref_slice %arg7[%sub3A_740, %dma_start3A_750, %dma_start3A_751, %dma_start3A_752] : memref<2x4x8x128xi32, #tpu.memory_space<vmem>> -> memref<1x4x8x128xi32, #tpu.memory_space<vmem>>
        %dma_start3A_754 = tpu.memref_squeeze %dma_start3A_753 : memref<1x4x8x128xi32, #tpu.memory_space<vmem>> -> memref<4x8x128xi32, #tpu.memory_space<vmem>>
        %dma_start3A_755 = arith.constant 0 : i32
        %dma_start3A_756 = arith.constant 0 : i32
        %dma_start3A_757 = tpu.memref_slice %arg2[%add3A_738, %mul3A_2, %dma_start3A_755, %dma_start3A_756] : memref<25x128x8x128xi32, #tpu.memory_space<hbm>> -> memref<1x4x8x128xi32, #tpu.memory_space<hbm>>
        %dma_start3A_758 = tpu.memref_squeeze %dma_start3A_757 : memref<1x4x8x128xi32, #tpu.memory_space<hbm>> -> memref<4x8x128xi32, #tpu.memory_space<hbm>>
        tpu.enqueue_dma source(%dma_start3A_758 : memref<4x8x128xi32, #tpu.memory_space<hbm>>) target(%dma_start3A_754 : memref<4x8x128xi32, #tpu.memory_space<vmem>>) target_semaphore(%arg13 : memref<!tpu.dma_semaphore, #tpu.memory_space<semaphore_mem>>)
      } else {
      }
      %ge3A = arith.constant 2 : i32
      %ge3A_610 = arith.cmpi sge, %scan3A_584, %ge3A : i32
      %convert_element_type3A_611 = arith.extui %ge3A_610 : i1 to i32
      %cond3A_612 = arith.constant 0 : i32
      %cond3A_613 = arith.cmpi ne, %convert_element_type3A_611, %cond3A_612 : i32
      scf.if %cond3A_613 {
        %sub3A_737 = arith.constant 2 : i32
        %sub3A_738 = arith.subi %scan3A_584, %sub3A_737 : i32
        %dma_wait3A_739 = arith.constant 0 : i32
        %dma_wait3A_740 = arith.constant 0 : i32
        %dma_wait3A_741 = arith.constant 0 : i32
        %dma_wait3A_742 = arith.constant 0 : i32
        %dma_wait3A_743 = arith.constant 0 : i32
        %dma_wait3A_744 = tpu.memref_slice %arg8[%rem3A_587, %dma_wait3A_739, %dma_wait3A_741, %dma_wait3A_742, %dma_wait3A_743] : memref<2x6x4x8x128xf32, #tpu.memory_space<vmem>> -> memref<1x1x4x8x128xf32, #tpu.memory_space<vmem>>
        %dma_wait3A_745 = tpu.memref_squeeze %dma_wait3A_744 : memref<1x1x4x8x128xf32, #tpu.memory_space<vmem>> -> memref<4x8x128xf32, #tpu.memory_space<vmem>>
        %dma_wait3A_746 = arith.constant 0 : i32
        %dma_wait3A_747 = arith.constant 0 : i32
        %dma_wait3A_748 = tpu.memref_slice %arg6[%dma_wait3A_740, %sub3A_738, %mul3A_2, %dma_wait3A_746, %dma_wait3A_747] : memref<6x25x128x8x128xf32, #tpu.memory_space<hbm>> -> memref<1x1x4x8x128xf32, #tpu.memory_space<hbm>>
        %dma_wait3A_749 = tpu.memref_squeeze %dma_wait3A_748 : memref<1x1x4x8x128xf32, #tpu.memory_space<hbm>> -> memref<4x8x128xf32, #tpu.memory_space<hbm>>
        %dma_wait3A_750 = arith.constant 0 : i32
        %dma_wait3A_751 = arith.constant 0 : i32
        %dma_wait3A_752 = tpu.memref_slice %arg6[%dma_wait3A_740, %sub3A_738, %mul3A_2, %dma_wait3A_750, %dma_wait3A_751] : memref<6x25x128x8x128xf32, #tpu.memory_space<hbm>> -> memref<1x1x4x8x128xf32, #tpu.memory_space<hbm>>
        %dma_wait3A_753 = tpu.memref_squeeze %dma_wait3A_752 : memref<1x1x4x8x128xf32, #tpu.memory_space<hbm>> -> memref<4x8x128xf32, #tpu.memory_space<hbm>>
        %dma_wait3A_754 = arith.constant 0 : i32
        %dma_wait3A_755 = arith.constant 0 : i32
        %dma_wait3A_756 = arith.constant 0 : i32
        %dma_wait3A_757 = tpu.memref_slice %arg8[%rem3A_587, %dma_wait3A_739, %dma_wait3A_754, %dma_wait3A_755, %dma_wait3A_756] : memref<2x6x4x8x128xf32, #tpu.memory_space<vmem>> -> memref<1x1x4x8x128xf32, #tpu.memory_space<vmem>>
        %dma_wait3A_758 = tpu.memref_squeeze %dma_wait3A_757 : memref<1x1x4x8x128xf32, #tpu.memory_space<vmem>> -> memref<4x8x128xf32, #tpu.memory_space<vmem>>
        tpu.wait_dma2 semaphore(%arg14 : memref<!tpu.dma_semaphore, #tpu.memory_space<semaphore_mem>>) src(%dma_wait3A_758 : memref<4x8x128xf32, #tpu.memory_space<vmem>>) dst(%dma_wait3A_753 : memref<4x8x128xf32, #tpu.memory_space<hbm>>)
        %sub3A_759 = arith.constant 2 : i32
        %sub3A_760 = arith.subi %scan3A_584, %sub3A_759 : i32
        %dma_wait3A_761 = arith.constant 1 : i32
        %dma_wait3A_762 = arith.constant 1 : i32
        %dma_wait3A_763 = arith.constant 0 : i32
        %dma_wait3A_764 = arith.constant 0 : i32
        %dma_wait3A_765 = arith.constant 0 : i32
        %dma_wait3A_766 = tpu.memref_slice %arg8[%rem3A_587, %dma_wait3A_761, %dma_wait3A_763, %dma_wait3A_764, %dma_wait3A_765] : memref<2x6x4x8x128xf32, #tpu.memory_space<vmem>> -> memref<1x1x4x8x128xf32, #tpu.memory_space<vmem>>
        %dma_wait3A_767 = tpu.memref_squeeze %dma_wait3A_766 : memref<1x1x4x8x128xf32, #tpu.memory_space<vmem>> -> memref<4x8x128xf32, #tpu.memory_space<vmem>>
        %dma_wait3A_768 = arith.constant 0 : i32
        %dma_wait3A_769 = arith.constant 0 : i32
        %dma_wait3A_770 = tpu.memref_slice %arg6[%dma_wait3A_762, %sub3A_760, %mul3A_2, %dma_wait3A_768, %dma_wait3A_769] : memref<6x25x128x8x128xf32, #tpu.memory_space<hbm>> -> memref<1x1x4x8x128xf32, #tpu.memory_space<hbm>>
        %dma_wait3A_771 = tpu.memref_squeeze %dma_wait3A_770 : memref<1x1x4x8x128xf32, #tpu.memory_space<hbm>> -> memref<4x8x128xf32, #tpu.memory_space<hbm>>
        %dma_wait3A_772 = arith.constant 0 : i32
        %dma_wait3A_773 = arith.constant 0 : i32
        %dma_wait3A_774 = tpu.memref_slice %arg6[%dma_wait3A_762, %sub3A_760, %mul3A_2, %dma_wait3A_772, %dma_wait3A_773] : memref<6x25x128x8x128xf32, #tpu.memory_space<hbm>> -> memref<1x1x4x8x128xf32, #tpu.memory_space<hbm>>
        %dma_wait3A_775 = tpu.memref_squeeze %dma_wait3A_774 : memref<1x1x4x8x128xf32, #tpu.memory_space<hbm>> -> memref<4x8x128xf32, #tpu.memory_space<hbm>>
        %dma_wait3A_776 = arith.constant 0 : i32
        %dma_wait3A_777 = arith.constant 0 : i32
        %dma_wait3A_778 = arith.constant 0 : i32
        %dma_wait3A_779 = tpu.memref_slice %arg8[%rem3A_587, %dma_wait3A_761, %dma_wait3A_776, %dma_wait3A_777, %dma_wait3A_778] : memref<2x6x4x8x128xf32, #tpu.memory_space<vmem>> -> memref<1x1x4x8x128xf32, #tpu.memory_space<vmem>>
        %dma_wait3A_780 = tpu.memref_squeeze %dma_wait3A_779 : memref<1x1x4x8x128xf32, #tpu.memory_space<vmem>> -> memref<4x8x128xf32, #tpu.memory_space<vmem>>
        tpu.wait_dma2 semaphore(%arg14 : memref<!tpu.dma_semaphore, #tpu.memory_space<semaphore_mem>>) src(%dma_wait3A_780 : memref<4x8x128xf32, #tpu.memory_space<vmem>>) dst(%dma_wait3A_775 : memref<4x8x128xf32, #tpu.memory_space<hbm>>)
        %sub3A_781 = arith.constant 2 : i32
        %sub3A_782 = arith.subi %scan3A_584, %sub3A_781 : i32
        %dma_wait3A_783 = arith.constant 2 : i32
        %dma_wait3A_784 = arith.constant 2 : i32
        %dma_wait3A_785 = arith.constant 0 : i32
        %dma_wait3A_786 = arith.constant 0 : i32
        %dma_wait3A_787 = arith.constant 0 : i32
        %dma_wait3A_788 = tpu.memref_slice %arg8[%rem3A_587, %dma_wait3A_783, %dma_wait3A_785, %dma_wait3A_786, %dma_wait3A_787] : memref<2x6x4x8x128xf32, #tpu.memory_space<vmem>> -> memref<1x1x4x8x128xf32, #tpu.memory_space<vmem>>
        %dma_wait3A_789 = tpu.memref_squeeze %dma_wait3A_788 : memref<1x1x4x8x128xf32, #tpu.memory_space<vmem>> -> memref<4x8x128xf32, #tpu.memory_space<vmem>>
        %dma_wait3A_790 = arith.constant 0 : i32
        %dma_wait3A_791 = arith.constant 0 : i32
        %dma_wait3A_792 = tpu.memref_slice %arg6[%dma_wait3A_784, %sub3A_782, %mul3A_2, %dma_wait3A_790, %dma_wait3A_791] : memref<6x25x128x8x128xf32, #tpu.memory_space<hbm>> -> memref<1x1x4x8x128xf32, #tpu.memory_space<hbm>>
        %dma_wait3A_793 = tpu.memref_squeeze %dma_wait3A_792 : memref<1x1x4x8x128xf32, #tpu.memory_space<hbm>> -> memref<4x8x128xf32, #tpu.memory_space<hbm>>
        %dma_wait3A_794 = arith.constant 0 : i32
        %dma_wait3A_795 = arith.constant 0 : i32
        %dma_wait3A_796 = tpu.memref_slice %arg6[%dma_wait3A_784, %sub3A_782, %mul3A_2, %dma_wait3A_794, %dma_wait3A_795] : memref<6x25x128x8x128xf32, #tpu.memory_space<hbm>> -> memref<1x1x4x8x128xf32, #tpu.memory_space<hbm>>
        %dma_wait3A_797 = tpu.memref_squeeze %dma_wait3A_796 : memref<1x1x4x8x128xf32, #tpu.memory_space<hbm>> -> memref<4x8x128xf32, #tpu.memory_space<hbm>>
        %dma_wait3A_798 = arith.constant 0 : i32
        %dma_wait3A_799 = arith.constant 0 : i32
        %dma_wait3A_800 = arith.constant 0 : i32
        %dma_wait3A_801 = tpu.memref_slice %arg8[%rem3A_587, %dma_wait3A_783, %dma_wait3A_798, %dma_wait3A_799, %dma_wait3A_800] : memref<2x6x4x8x128xf32, #tpu.memory_space<vmem>> -> memref<1x1x4x8x128xf32, #tpu.memory_space<vmem>>
        %dma_wait3A_802 = tpu.memref_squeeze %dma_wait3A_801 : memref<1x1x4x8x128xf32, #tpu.memory_space<vmem>> -> memref<4x8x128xf32, #tpu.memory_space<vmem>>
        tpu.wait_dma2 semaphore(%arg14 : memref<!tpu.dma_semaphore, #tpu.memory_space<semaphore_mem>>) src(%dma_wait3A_802 : memref<4x8x128xf32, #tpu.memory_space<vmem>>) dst(%dma_wait3A_797 : memref<4x8x128xf32, #tpu.memory_space<hbm>>)
        %sub3A_803 = arith.constant 2 : i32
        %sub3A_804 = arith.subi %scan3A_584, %sub3A_803 : i32
        %dma_wait3A_805 = arith.constant 3 : i32
        %dma_wait3A_806 = arith.constant 3 : i32
        %dma_wait3A_807 = arith.constant 0 : i32
        %dma_wait3A_808 = arith.constant 0 : i32
        %dma_wait3A_809 = arith.constant 0 : i32
        %dma_wait3A_810 = tpu.memref_slice %arg8[%rem3A_587, %dma_wait3A_805, %dma_wait3A_807, %dma_wait3A_808, %dma_wait3A_809] : memref<2x6x4x8x128xf32, #tpu.memory_space<vmem>> -> memref<1x1x4x8x128xf32, #tpu.memory_space<vmem>>
        %dma_wait3A_811 = tpu.memref_squeeze %dma_wait3A_810 : memref<1x1x4x8x128xf32, #tpu.memory_space<vmem>> -> memref<4x8x128xf32, #tpu.memory_space<vmem>>
        %dma_wait3A_812 = arith.constant 0 : i32
        %dma_wait3A_813 = arith.constant 0 : i32
        %dma_wait3A_814 = tpu.memref_slice %arg6[%dma_wait3A_806, %sub3A_804, %mul3A_2, %dma_wait3A_812, %dma_wait3A_813] : memref<6x25x128x8x128xf32, #tpu.memory_space<hbm>> -> memref<1x1x4x8x128xf32, #tpu.memory_space<hbm>>
        %dma_wait3A_815 = tpu.memref_squeeze %dma_wait3A_814 : memref<1x1x4x8x128xf32, #tpu.memory_space<hbm>> -> memref<4x8x128xf32, #tpu.memory_space<hbm>>
        %dma_wait3A_816 = arith.constant 0 : i32
        %dma_wait3A_817 = arith.constant 0 : i32
        %dma_wait3A_818 = tpu.memref_slice %arg6[%dma_wait3A_806, %sub3A_804, %mul3A_2, %dma_wait3A_816, %dma_wait3A_817] : memref<6x25x128x8x128xf32, #tpu.memory_space<hbm>> -> memref<1x1x4x8x128xf32, #tpu.memory_space<hbm>>
        %dma_wait3A_819 = tpu.memref_squeeze %dma_wait3A_818 : memref<1x1x4x8x128xf32, #tpu.memory_space<hbm>> -> memref<4x8x128xf32, #tpu.memory_space<hbm>>
        %dma_wait3A_820 = arith.constant 0 : i32
        %dma_wait3A_821 = arith.constant 0 : i32
        %dma_wait3A_822 = arith.constant 0 : i32
        %dma_wait3A_823 = tpu.memref_slice %arg8[%rem3A_587, %dma_wait3A_805, %dma_wait3A_820, %dma_wait3A_821, %dma_wait3A_822] : memref<2x6x4x8x128xf32, #tpu.memory_space<vmem>> -> memref<1x1x4x8x128xf32, #tpu.memory_space<vmem>>
        %dma_wait3A_824 = tpu.memref_squeeze %dma_wait3A_823 : memref<1x1x4x8x128xf32, #tpu.memory_space<vmem>> -> memref<4x8x128xf32, #tpu.memory_space<vmem>>
        tpu.wait_dma2 semaphore(%arg14 : memref<!tpu.dma_semaphore, #tpu.memory_space<semaphore_mem>>) src(%dma_wait3A_824 : memref<4x8x128xf32, #tpu.memory_space<vmem>>) dst(%dma_wait3A_819 : memref<4x8x128xf32, #tpu.memory_space<hbm>>)
        %sub3A_825 = arith.constant 2 : i32
        %sub3A_826 = arith.subi %scan3A_584, %sub3A_825 : i32
        %dma_wait3A_827 = arith.constant 4 : i32
        %dma_wait3A_828 = arith.constant 4 : i32
        %dma_wait3A_829 = arith.constant 0 : i32
        %dma_wait3A_830 = arith.constant 0 : i32
        %dma_wait3A_831 = arith.constant 0 : i32
        %dma_wait3A_832 = tpu.memref_slice %arg8[%rem3A_587, %dma_wait3A_827, %dma_wait3A_829, %dma_wait3A_830, %dma_wait3A_831] : memref<2x6x4x8x128xf32, #tpu.memory_space<vmem>> -> memref<1x1x4x8x128xf32, #tpu.memory_space<vmem>>
        %dma_wait3A_833 = tpu.memref_squeeze %dma_wait3A_832 : memref<1x1x4x8x128xf32, #tpu.memory_space<vmem>> -> memref<4x8x128xf32, #tpu.memory_space<vmem>>
        %dma_wait3A_834 = arith.constant 0 : i32
        %dma_wait3A_835 = arith.constant 0 : i32
        %dma_wait3A_836 = tpu.memref_slice %arg6[%dma_wait3A_828, %sub3A_826, %mul3A_2, %dma_wait3A_834, %dma_wait3A_835] : memref<6x25x128x8x128xf32, #tpu.memory_space<hbm>> -> memref<1x1x4x8x128xf32, #tpu.memory_space<hbm>>
        %dma_wait3A_837 = tpu.memref_squeeze %dma_wait3A_836 : memref<1x1x4x8x128xf32, #tpu.memory_space<hbm>> -> memref<4x8x128xf32, #tpu.memory_space<hbm>>
        %dma_wait3A_838 = arith.constant 0 : i32
        %dma_wait3A_839 = arith.constant 0 : i32
        %dma_wait3A_840 = tpu.memref_slice %arg6[%dma_wait3A_828, %sub3A_826, %mul3A_2, %dma_wait3A_838, %dma_wait3A_839] : memref<6x25x128x8x128xf32, #tpu.memory_space<hbm>> -> memref<1x1x4x8x128xf32, #tpu.memory_space<hbm>>
        %dma_wait3A_841 = tpu.memref_squeeze %dma_wait3A_840 : memref<1x1x4x8x128xf32, #tpu.memory_space<hbm>> -> memref<4x8x128xf32, #tpu.memory_space<hbm>>
        %dma_wait3A_842 = arith.constant 0 : i32
        %dma_wait3A_843 = arith.constant 0 : i32
        %dma_wait3A_844 = arith.constant 0 : i32
        %dma_wait3A_845 = tpu.memref_slice %arg8[%rem3A_587, %dma_wait3A_827, %dma_wait3A_842, %dma_wait3A_843, %dma_wait3A_844] : memref<2x6x4x8x128xf32, #tpu.memory_space<vmem>> -> memref<1x1x4x8x128xf32, #tpu.memory_space<vmem>>
        %dma_wait3A_846 = tpu.memref_squeeze %dma_wait3A_845 : memref<1x1x4x8x128xf32, #tpu.memory_space<vmem>> -> memref<4x8x128xf32, #tpu.memory_space<vmem>>
        tpu.wait_dma2 semaphore(%arg14 : memref<!tpu.dma_semaphore, #tpu.memory_space<semaphore_mem>>) src(%dma_wait3A_846 : memref<4x8x128xf32, #tpu.memory_space<vmem>>) dst(%dma_wait3A_841 : memref<4x8x128xf32, #tpu.memory_space<hbm>>)
        %sub3A_847 = arith.constant 2 : i32
        %sub3A_848 = arith.subi %scan3A_584, %sub3A_847 : i32
        %dma_wait3A_849 = arith.constant 5 : i32
        %dma_wait3A_850 = arith.constant 5 : i32
        %dma_wait3A_851 = arith.constant 0 : i32
        %dma_wait3A_852 = arith.constant 0 : i32
        %dma_wait3A_853 = arith.constant 0 : i32
        %dma_wait3A_854 = tpu.memref_slice %arg8[%rem3A_587, %dma_wait3A_849, %dma_wait3A_851, %dma_wait3A_852, %dma_wait3A_853] : memref<2x6x4x8x128xf32, #tpu.memory_space<vmem>> -> memref<1x1x4x8x128xf32, #tpu.memory_space<vmem>>
        %dma_wait3A_855 = tpu.memref_squeeze %dma_wait3A_854 : memref<1x1x4x8x128xf32, #tpu.memory_space<vmem>> -> memref<4x8x128xf32, #tpu.memory_space<vmem>>
        %dma_wait3A_856 = arith.constant 0 : i32
        %dma_wait3A_857 = arith.constant 0 : i32
        %dma_wait3A_858 = tpu.memref_slice %arg6[%dma_wait3A_850, %sub3A_848, %mul3A_2, %dma_wait3A_856, %dma_wait3A_857] : memref<6x25x128x8x128xf32, #tpu.memory_space<hbm>> -> memref<1x1x4x8x128xf32, #tpu.memory_space<hbm>>
        %dma_wait3A_859 = tpu.memref_squeeze %dma_wait3A_858 : memref<1x1x4x8x128xf32, #tpu.memory_space<hbm>> -> memref<4x8x128xf32, #tpu.memory_space<hbm>>
        %dma_wait3A_860 = arith.constant 0 : i32
        %dma_wait3A_861 = arith.constant 0 : i32
        %dma_wait3A_862 = tpu.memref_slice %arg6[%dma_wait3A_850, %sub3A_848, %mul3A_2, %dma_wait3A_860, %dma_wait3A_861] : memref<6x25x128x8x128xf32, #tpu.memory_space<hbm>> -> memref<1x1x4x8x128xf32, #tpu.memory_space<hbm>>
        %dma_wait3A_863 = tpu.memref_squeeze %dma_wait3A_862 : memref<1x1x4x8x128xf32, #tpu.memory_space<hbm>> -> memref<4x8x128xf32, #tpu.memory_space<hbm>>
        %dma_wait3A_864 = arith.constant 0 : i32
        %dma_wait3A_865 = arith.constant 0 : i32
        %dma_wait3A_866 = arith.constant 0 : i32
        %dma_wait3A_867 = tpu.memref_slice %arg8[%rem3A_587, %dma_wait3A_849, %dma_wait3A_864, %dma_wait3A_865, %dma_wait3A_866] : memref<2x6x4x8x128xf32, #tpu.memory_space<vmem>> -> memref<1x1x4x8x128xf32, #tpu.memory_space<vmem>>
        %dma_wait3A_868 = tpu.memref_squeeze %dma_wait3A_867 : memref<1x1x4x8x128xf32, #tpu.memory_space<vmem>> -> memref<4x8x128xf32, #tpu.memory_space<vmem>>
        tpu.wait_dma2 semaphore(%arg14 : memref<!tpu.dma_semaphore, #tpu.memory_space<semaphore_mem>>) src(%dma_wait3A_868 : memref<4x8x128xf32, #tpu.memory_space<vmem>>) dst(%dma_wait3A_863 : memref<4x8x128xf32, #tpu.memory_space<hbm>>)
      } else {
      }
      %parallel_loop3A = arith.constant 0 : i32
      %parallel_loop3A_614 = arith.constant 256 : i32
      %parallel_loop3A_615 = arith.constant 1 : i32
      scf.for %parallel_loop3A_737 = %parallel_loop3A to %parallel_loop3A_614 step %parallel_loop3A_615  : i32 {
        %parallel_loop3A_738 = arith.constant 64 : i32
        %parallel_loop3A_739 = arith.divsi %parallel_loop3A_737, %parallel_loop3A_738 : i32
        %parallel_loop3A_740 = arith.constant 0 : i32
        %parallel_loop3A_741 = arith.cmpi sgt, %parallel_loop3A_737, %parallel_loop3A_740 : i32
        %parallel_loop3A_742 = arith.extui %parallel_loop3A_741 : i1 to i32
        %parallel_loop3A_743 = arith.constant 0 : i32
        %parallel_loop3A_744 = arith.cmpi slt, %parallel_loop3A_737, %parallel_loop3A_743 : i32
        %parallel_loop3A_745 = arith.extui %parallel_loop3A_744 : i1 to i32
        %parallel_loop3A_746 = arith.subi %parallel_loop3A_742, %parallel_loop3A_745 : i32
        %parallel_loop3A_747 = arith.constant 0 : i32
        %parallel_loop3A_748 = arith.cmpi sgt, %parallel_loop3A_738, %parallel_loop3A_747 : i32
        %parallel_loop3A_749 = arith.extui %parallel_loop3A_748 : i1 to i32
        %parallel_loop3A_750 = arith.constant 0 : i32
        %parallel_loop3A_751 = arith.cmpi slt, %parallel_loop3A_738, %parallel_loop3A_750 : i32
        %parallel_loop3A_752 = arith.extui %parallel_loop3A_751 : i1 to i32
        %parallel_loop3A_753 = arith.subi %parallel_loop3A_749, %parallel_loop3A_752 : i32
        %parallel_loop3A_754 = arith.cmpi ne, %parallel_loop3A_746, %parallel_loop3A_753 : i32
        %parallel_loop3A_755 = arith.remsi %parallel_loop3A_737, %parallel_loop3A_738 : i32
        %parallel_loop3A_756 = arith.constant 0 : i32
        %parallel_loop3A_757 = arith.cmpi ne, %parallel_loop3A_755, %parallel_loop3A_756 : i32
        %parallel_loop3A_758 = arith.andi %parallel_loop3A_754, %parallel_loop3A_757 : i1
        %parallel_loop3A_759 = arith.constant 1 : i32
        %parallel_loop3A_760 = arith.subi %parallel_loop3A_739, %parallel_loop3A_759 : i32
        %parallel_loop3A_761 = arith.select %parallel_loop3A_758, %parallel_loop3A_760, %parallel_loop3A_739 : i32
        %parallel_loop3A_762 = arith.constant 8 : i32
        %parallel_loop3A_763 = arith.divsi %parallel_loop3A_737, %parallel_loop3A_762 : i32
        %parallel_loop3A_764 = arith.constant 0 : i32
        %parallel_loop3A_765 = arith.cmpi sgt, %parallel_loop3A_737, %parallel_loop3A_764 : i32
        %parallel_loop3A_766 = arith.extui %parallel_loop3A_765 : i1 to i32
        %parallel_loop3A_767 = arith.constant 0 : i32
        %parallel_loop3A_768 = arith.cmpi slt, %parallel_loop3A_737, %parallel_loop3A_767 : i32
        %parallel_loop3A_769 = arith.extui %parallel_loop3A_768 : i1 to i32
        %parallel_loop3A_770 = arith.subi %parallel_loop3A_766, %parallel_loop3A_769 : i32
        %parallel_loop3A_771 = arith.constant 0 : i32
        %parallel_loop3A_772 = arith.cmpi sgt, %parallel_loop3A_762, %parallel_loop3A_771 : i32
        %parallel_loop3A_773 = arith.extui %parallel_loop3A_772 : i1 to i32
        %parallel_loop3A_774 = arith.constant 0 : i32
        %parallel_loop3A_775 = arith.cmpi slt, %parallel_loop3A_762, %parallel_loop3A_774 : i32
        %parallel_loop3A_776 = arith.extui %parallel_loop3A_775 : i1 to i32
        %parallel_loop3A_777 = arith.subi %parallel_loop3A_773, %parallel_loop3A_776 : i32
        %parallel_loop3A_778 = arith.cmpi ne, %parallel_loop3A_770, %parallel_loop3A_777 : i32
        %parallel_loop3A_779 = arith.remsi %parallel_loop3A_737, %parallel_loop3A_762 : i32
        %parallel_loop3A_780 = arith.constant 0 : i32
        %parallel_loop3A_781 = arith.cmpi ne, %parallel_loop3A_779, %parallel_loop3A_780 : i32
        %parallel_loop3A_782 = arith.andi %parallel_loop3A_778, %parallel_loop3A_781 : i1
        %parallel_loop3A_783 = arith.constant 1 : i32
        %parallel_loop3A_784 = arith.subi %parallel_loop3A_763, %parallel_loop3A_783 : i32
        %parallel_loop3A_785 = arith.select %parallel_loop3A_782, %parallel_loop3A_784, %parallel_loop3A_763 : i32
        %parallel_loop3A_786 = arith.constant 8 : i32
        %parallel_loop3A_787 = arith.muli %parallel_loop3A_761, %parallel_loop3A_786 : i32
        %parallel_loop3A_788 = arith.subi %parallel_loop3A_785, %parallel_loop3A_787 : i32
        %parallel_loop3A_789 = arith.constant 8 : i32
        %parallel_loop3A_790 = arith.divsi %parallel_loop3A_737, %parallel_loop3A_789 : i32
        %parallel_loop3A_791 = arith.constant 0 : i32
        %parallel_loop3A_792 = arith.cmpi sgt, %parallel_loop3A_737, %parallel_loop3A_791 : i32
        %parallel_loop3A_793 = arith.extui %parallel_loop3A_792 : i1 to i32
        %parallel_loop3A_794 = arith.constant 0 : i32
        %parallel_loop3A_795 = arith.cmpi slt, %parallel_loop3A_737, %parallel_loop3A_794 : i32
        %parallel_loop3A_796 = arith.extui %parallel_loop3A_795 : i1 to i32
        %parallel_loop3A_797 = arith.subi %parallel_loop3A_793, %parallel_loop3A_796 : i32
        %parallel_loop3A_798 = arith.constant 0 : i32
        %parallel_loop3A_799 = arith.cmpi sgt, %parallel_loop3A_789, %parallel_loop3A_798 : i32
        %parallel_loop3A_800 = arith.extui %parallel_loop3A_799 : i1 to i32
        %parallel_loop3A_801 = arith.constant 0 : i32
        %parallel_loop3A_802 = arith.cmpi slt, %parallel_loop3A_789, %parallel_loop3A_801 : i32
        %parallel_loop3A_803 = arith.extui %parallel_loop3A_802 : i1 to i32
        %parallel_loop3A_804 = arith.subi %parallel_loop3A_800, %parallel_loop3A_803 : i32
        %parallel_loop3A_805 = arith.cmpi ne, %parallel_loop3A_797, %parallel_loop3A_804 : i32
        %parallel_loop3A_806 = arith.remsi %parallel_loop3A_737, %parallel_loop3A_789 : i32
        %parallel_loop3A_807 = arith.constant 0 : i32
        %parallel_loop3A_808 = arith.cmpi ne, %parallel_loop3A_806, %parallel_loop3A_807 : i32
        %parallel_loop3A_809 = arith.andi %parallel_loop3A_805, %parallel_loop3A_808 : i1
        %parallel_loop3A_810 = arith.constant 1 : i32
        %parallel_loop3A_811 = arith.subi %parallel_loop3A_790, %parallel_loop3A_810 : i32
        %parallel_loop3A_812 = arith.select %parallel_loop3A_809, %parallel_loop3A_811, %parallel_loop3A_790 : i32
        %parallel_loop3A_813 = arith.constant 8 : i32
        %parallel_loop3A_814 = arith.muli %parallel_loop3A_812, %parallel_loop3A_813 : i32
        %parallel_loop3A_815 = arith.subi %parallel_loop3A_737, %parallel_loop3A_814 : i32
        %parallel_loop3A_816 = arith.constant 16 : i32
        %parallel_loop3A_817 = arith.muli %parallel_loop3A_815, %parallel_loop3A_816 : i32
        %parallel_loop3A_818 = arith.index_cast %rem3A_587 : i32 to index
        %parallel_loop3A_819 = arith.index_cast %parallel_loop3A_761 : i32 to index
        %parallel_loop3A_820 = arith.index_cast %parallel_loop3A_788 : i32 to index
        %parallel_loop3A_821 = arith.index_cast %parallel_loop3A_817 : i32 to index
        %parallel_loop3A_822 = tpu.vector_load %arg7[%parallel_loop3A_818, %parallel_loop3A_819, %parallel_loop3A_820, %parallel_loop3A_821] {strides = array<i32>} : memref<2x4x8x128xi32, #tpu.memory_space<vmem>>, vector<16xi32>,
        %parallel_loop3A_823 = arith.constant 6 : i32
        %parallel_loop3A_824 = vector.broadcast %parallel_loop3A_823 : i32 to vector<16xi32>
        %parallel_loop3A_825 = arith.muli %parallel_loop3A_822, %parallel_loop3A_824 : vector<16xi32>
        %parallel_loop3A_826 = arith.constant 0 : i32
        %parallel_loop3A_827 = vector.broadcast %parallel_loop3A_826 : i32 to vector<16xi32>
        %parallel_loop3A_828 = arith.addi %parallel_loop3A_825, %parallel_loop3A_827 : vector<16xi32>
        %parallel_loop3A_829 = tpu.vector_load_idx %arg9[%parallel_loop3A_828] : memref<64xf32, #tpu.memory_space<vmem>>[vector<16xi32>], vector<16xf32>,
        %parallel_loop3A_830 = arith.constant 0 : i32
        %parallel_loop3A_831 = arith.index_cast %rem3A_587 : i32 to index
        %parallel_loop3A_832 = arith.index_cast %parallel_loop3A_830 : i32 to index
        %parallel_loop3A_833 = arith.index_cast %parallel_loop3A_761 : i32 to index
        %parallel_loop3A_834 = arith.index_cast %parallel_loop3A_788 : i32 to index
        %parallel_loop3A_835 = arith.index_cast %parallel_loop3A_817 : i32 to index
        %parallel_loop3A_836 = tpu.vector_load %arg8[%parallel_loop3A_831, %parallel_loop3A_832, %parallel_loop3A_833, %parallel_loop3A_834, %parallel_loop3A_835] {strides = array<i32>} : memref<2x6x4x8x128xf32, #tpu.memory_space<vmem>>, vector<16xf32>,
        tpu.vector_store %arg8[%parallel_loop3A_831, %parallel_loop3A_832, %parallel_loop3A_833, %parallel_loop3A_834, %parallel_loop3A_835], %parallel_loop3A_829 {strides = array<i32>} : memref<2x6x4x8x128xf32, #tpu.memory_space<vmem>>, vector<16xf32>,
        %parallel_loop3A_837 = arith.constant 1 : i32
        %parallel_loop3A_838 = vector.broadcast %parallel_loop3A_837 : i32 to vector<16xi32>
        %parallel_loop3A_839 = arith.addi %parallel_loop3A_825, %parallel_loop3A_838 : vector<16xi32>
        %parallel_loop3A_840 = tpu.vector_load_idx %arg9[%parallel_loop3A_839] : memref<64xf32, #tpu.memory_space<vmem>>[vector<16xi32>], vector<16xf32>,
        %parallel_loop3A_841 = arith.constant 1 : i32
        %parallel_loop3A_842 = arith.index_cast %rem3A_587 : i32 to index
        %parallel_loop3A_843 = arith.index_cast %parallel_loop3A_841 : i32 to index
        %parallel_loop3A_844 = arith.index_cast %parallel_loop3A_761 : i32 to index
        %parallel_loop3A_845 = arith.index_cast %parallel_loop3A_788 : i32 to index
        %parallel_loop3A_846 = arith.index_cast %parallel_loop3A_817 : i32 to index
        %parallel_loop3A_847 = tpu.vector_load %arg8[%parallel_loop3A_842, %parallel_loop3A_843, %parallel_loop3A_844, %parallel_loop3A_845, %parallel_loop3A_846] {strides = array<i32>} : memref<2x6x4x8x128xf32, #tpu.memory_space<vmem>>, vector<16xf32>,
        tpu.vector_store %arg8[%parallel_loop3A_842, %parallel_loop3A_843, %parallel_loop3A_844, %parallel_loop3A_845, %parallel_loop3A_846], %parallel_loop3A_840 {strides = array<i32>} : memref<2x6x4x8x128xf32, #tpu.memory_space<vmem>>, vector<16xf32>,
        %parallel_loop3A_848 = arith.constant 2 : i32
        %parallel_loop3A_849 = vector.broadcast %parallel_loop3A_848 : i32 to vector<16xi32>
        %parallel_loop3A_850 = arith.addi %parallel_loop3A_825, %parallel_loop3A_849 : vector<16xi32>
        %parallel_loop3A_851 = tpu.vector_load_idx %arg9[%parallel_loop3A_850] : memref<64xf32, #tpu.memory_space<vmem>>[vector<16xi32>], vector<16xf32>,
        %parallel_loop3A_852 = arith.constant 2 : i32
        %parallel_loop3A_853 = arith.index_cast %rem3A_587 : i32 to index
        %parallel_loop3A_854 = arith.index_cast %parallel_loop3A_852 : i32 to index
        %parallel_loop3A_855 = arith.index_cast %parallel_loop3A_761 : i32 to index
        %parallel_loop3A_856 = arith.index_cast %parallel_loop3A_788 : i32 to index
        %parallel_loop3A_857 = arith.index_cast %parallel_loop3A_817 : i32 to index
        %parallel_loop3A_858 = tpu.vector_load %arg8[%parallel_loop3A_853, %parallel_loop3A_854, %parallel_loop3A_855, %parallel_loop3A_856, %parallel_loop3A_857] {strides = array<i32>} : memref<2x6x4x8x128xf32, #tpu.memory_space<vmem>>, vector<16xf32>,
        tpu.vector_store %arg8[%parallel_loop3A_853, %parallel_loop3A_854, %parallel_loop3A_855, %parallel_loop3A_856, %parallel_loop3A_857], %parallel_loop3A_851 {strides = array<i32>} : memref<2x6x4x8x128xf32, #tpu.memory_space<vmem>>, vector<16xf32>,
        %parallel_loop3A_859 = arith.constant 3 : i32
        %parallel_loop3A_860 = vector.broadcast %parallel_loop3A_859 : i32 to vector<16xi32>
        %parallel_loop3A_861 = arith.addi %parallel_loop3A_825, %parallel_loop3A_860 : vector<16xi32>
        %parallel_loop3A_862 = tpu.vector_load_idx %arg9[%parallel_loop3A_861] : memref<64xf32, #tpu.memory_space<vmem>>[vector<16xi32>], vector<16xf32>,
        %parallel_loop3A_863 = arith.constant 3 : i32
        %parallel_loop3A_864 = arith.index_cast %rem3A_587 : i32 to index
        %parallel_loop3A_865 = arith.index_cast %parallel_loop3A_863 : i32 to index
        %parallel_loop3A_866 = arith.index_cast %parallel_loop3A_761 : i32 to index
        %parallel_loop3A_867 = arith.index_cast %parallel_loop3A_788 : i32 to index
        %parallel_loop3A_868 = arith.index_cast %parallel_loop3A_817 : i32 to index
        %parallel_loop3A_869 = tpu.vector_load %arg8[%parallel_loop3A_864, %parallel_loop3A_865, %parallel_loop3A_866, %parallel_loop3A_867, %parallel_loop3A_868] {strides = array<i32>} : memref<2x6x4x8x128xf32, #tpu.memory_space<vmem>>, vector<16xf32>,
        tpu.vector_store %arg8[%parallel_loop3A_864, %parallel_loop3A_865, %parallel_loop3A_866, %parallel_loop3A_867, %parallel_loop3A_868], %parallel_loop3A_862 {strides = array<i32>} : memref<2x6x4x8x128xf32, #tpu.memory_space<vmem>>, vector<16xf32>,
        %parallel_loop3A_870 = arith.constant 4 : i32
        %parallel_loop3A_871 = vector.broadcast %parallel_loop3A_870 : i32 to vector<16xi32>
        %parallel_loop3A_872 = arith.addi %parallel_loop3A_825, %parallel_loop3A_871 : vector<16xi32>
        %parallel_loop3A_873 = tpu.vector_load_idx %arg9[%parallel_loop3A_872] : memref<64xf32, #tpu.memory_space<vmem>>[vector<16xi32>], vector<16xf32>,
        %parallel_loop3A_874 = arith.constant 4 : i32
        %parallel_loop3A_875 = arith.index_cast %rem3A_587 : i32 to index
        %parallel_loop3A_876 = arith.index_cast %parallel_loop3A_874 : i32 to index
        %parallel_loop3A_877 = arith.index_cast %parallel_loop3A_761 : i32 to index
        %parallel_loop3A_878 = arith.index_cast %parallel_loop3A_788 : i32 to index
        %parallel_loop3A_879 = arith.index_cast %parallel_loop3A_817 : i32 to index
        %parallel_loop3A_880 = tpu.vector_load %arg8[%parallel_loop3A_875, %parallel_loop3A_876, %parallel_loop3A_877, %parallel_loop3A_878, %parallel_loop3A_879] {strides = array<i32>} : memref<2x6x4x8x128xf32, #tpu.memory_space<vmem>>, vector<16xf32>,
        tpu.vector_store %arg8[%parallel_loop3A_875, %parallel_loop3A_876, %parallel_loop3A_877, %parallel_loop3A_878, %parallel_loop3A_879], %parallel_loop3A_873 {strides = array<i32>} : memref<2x6x4x8x128xf32, #tpu.memory_space<vmem>>, vector<16xf32>,
        %parallel_loop3A_881 = arith.constant 5 : i32
        %parallel_loop3A_882 = vector.broadcast %parallel_loop3A_881 : i32 to vector<16xi32>
        %parallel_loop3A_883 = arith.addi %parallel_loop3A_825, %parallel_loop3A_882 : vector<16xi32>
        %parallel_loop3A_884 = tpu.vector_load_idx %arg9[%parallel_loop3A_883] : memref<64xf32, #tpu.memory_space<vmem>>[vector<16xi32>], vector<16xf32>,
        %parallel_loop3A_885 = arith.constant 5 : i32
        %parallel_loop3A_886 = arith.index_cast %rem3A_587 : i32 to index
        %parallel_loop3A_887 = arith.index_cast %parallel_loop3A_885 : i32 to index
        %parallel_loop3A_888 = arith.index_cast %parallel_loop3A_761 : i32 to index
        %parallel_loop3A_889 = arith.index_cast %parallel_loop3A_788 : i32 to index
        %parallel_loop3A_890 = arith.index_cast %parallel_loop3A_817 : i32 to index
        %parallel_loop3A_891 = tpu.vector_load %arg8[%parallel_loop3A_886, %parallel_loop3A_887, %parallel_loop3A_888, %parallel_loop3A_889, %parallel_loop3A_890] {strides = array<i32>} : memref<2x6x4x8x128xf32, #tpu.memory_space<vmem>>, vector<16xf32>,
        tpu.vector_store %arg8[%parallel_loop3A_886, %parallel_loop3A_887, %parallel_loop3A_888, %parallel_loop3A_889, %parallel_loop3A_890], %parallel_loop3A_884 {strides = array<i32>} : memref<2x6x4x8x128xf32, #tpu.memory_space<vmem>>, vector<16xf32>,
      } {sc.loop_unroll_factor = 4 : i64, sc.parallel_access}
      %dma_start3A_616 = arith.constant 0 : i32
      %dma_start3A_617 = arith.constant 0 : i32
      %dma_start3A_618 = arith.constant 0 : i32
      %dma_start3A_619 = arith.constant 0 : i32
      %dma_start3A_620 = arith.constant 0 : i32
      %dma_start3A_621 = tpu.memref_slice %arg8[%rem3A_587, %dma_start3A_616, %dma_start3A_618, %dma_start3A_619, %dma_start3A_620] : memref<2x6x4x8x128xf32, #tpu.memory_space<vmem>> -> memref<1x1x4x8x128xf32, #tpu.memory_space<vmem>>
      %dma_start3A_622 = tpu.memref_squeeze %dma_start3A_621 : memref<1x1x4x8x128xf32, #tpu.memory_space<vmem>> -> memref<4x8x128xf32, #tpu.memory_space<vmem>>
      %dma_start3A_623 = arith.constant 0 : i32
      %dma_start3A_624 = arith.constant 0 : i32
      %dma_start3A_625 = tpu.memref_slice %arg6[%dma_start3A_617, %scan3A_584, %mul3A_2, %dma_start3A_623, %dma_start3A_624] : memref<6x25x128x8x128xf32, #tpu.memory_space<hbm>> -> memref<1x1x4x8x128xf32, #tpu.memory_space<hbm>>
      %dma_start3A_626 = tpu.memref_squeeze %dma_start3A_625 : memref<1x1x4x8x128xf32, #tpu.memory_space<hbm>> -> memref<4x8x128xf32, #tpu.memory_space<hbm>>
      %dma_start3A_627 = arith.constant 0 : i32
      %dma_start3A_628 = arith.constant 0 : i32
      %dma_start3A_629 = tpu.memref_slice %arg6[%dma_start3A_617, %scan3A_584, %mul3A_2, %dma_start3A_627, %dma_start3A_628] : memref<6x25x128x8x128xf32, #tpu.memory_space<hbm>> -> memref<1x1x4x8x128xf32, #tpu.memory_space<hbm>>
      %dma_start3A_630 = tpu.memref_squeeze %dma_start3A_629 : memref<1x1x4x8x128xf32, #tpu.memory_space<hbm>> -> memref<4x8x128xf32, #tpu.memory_space<hbm>>
      %dma_start3A_631 = arith.constant 0 : i32
      %dma_start3A_632 = arith.constant 0 : i32
      %dma_start3A_633 = arith.constant 0 : i32
      %dma_start3A_634 = tpu.memref_slice %arg8[%rem3A_587, %dma_start3A_616, %dma_start3A_631, %dma_start3A_632, %dma_start3A_633] : memref<2x6x4x8x128xf32, #tpu.memory_space<vmem>> -> memref<1x1x4x8x128xf32, #tpu.memory_space<vmem>>
      %dma_start3A_635 = tpu.memref_squeeze %dma_start3A_634 : memref<1x1x4x8x128xf32, #tpu.memory_space<vmem>> -> memref<4x8x128xf32, #tpu.memory_space<vmem>>
      tpu.enqueue_dma source(%dma_start3A_635 : memref<4x8x128xf32, #tpu.memory_space<vmem>>) target(%dma_start3A_630 : memref<4x8x128xf32, #tpu.memory_space<hbm>>) target_semaphore(%arg14 : memref<!tpu.dma_semaphore, #tpu.memory_space<semaphore_mem>>)
      %dma_start3A_636 = arith.constant 1 : i32
      %dma_start3A_637 = arith.constant 1 : i32
      %dma_start3A_638 = arith.constant 0 : i32
      %dma_start3A_639 = arith.constant 0 : i32
      %dma_start3A_640 = arith.constant 0 : i32
      %dma_start3A_641 = tpu.memref_slice %arg8[%rem3A_587, %dma_start3A_636, %dma_start3A_638, %dma_start3A_639, %dma_start3A_640] : memref<2x6x4x8x128xf32, #tpu.memory_space<vmem>> -> memref<1x1x4x8x128xf32, #tpu.memory_space<vmem>>
      %dma_start3A_642 = tpu.memref_squeeze %dma_start3A_641 : memref<1x1x4x8x128xf32, #tpu.memory_space<vmem>> -> memref<4x8x128xf32, #tpu.memory_space<vmem>>
      %dma_start3A_643 = arith.constant 0 : i32
      %dma_start3A_644 = arith.constant 0 : i32
      %dma_start3A_645 = tpu.memref_slice %arg6[%dma_start3A_637, %scan3A_584, %mul3A_2, %dma_start3A_643, %dma_start3A_644] : memref<6x25x128x8x128xf32, #tpu.memory_space<hbm>> -> memref<1x1x4x8x128xf32, #tpu.memory_space<hbm>>
      %dma_start3A_646 = tpu.memref_squeeze %dma_start3A_645 : memref<1x1x4x8x128xf32, #tpu.memory_space<hbm>> -> memref<4x8x128xf32, #tpu.memory_space<hbm>>
      %dma_start3A_647 = arith.constant 0 : i32
      %dma_start3A_648 = arith.constant 0 : i32
      %dma_start3A_649 = tpu.memref_slice %arg6[%dma_start3A_637, %scan3A_584, %mul3A_2, %dma_start3A_647, %dma_start3A_648] : memref<6x25x128x8x128xf32, #tpu.memory_space<hbm>> -> memref<1x1x4x8x128xf32, #tpu.memory_space<hbm>>
      %dma_start3A_650 = tpu.memref_squeeze %dma_start3A_649 : memref<1x1x4x8x128xf32, #tpu.memory_space<hbm>> -> memref<4x8x128xf32, #tpu.memory_space<hbm>>
      %dma_start3A_651 = arith.constant 0 : i32
      %dma_start3A_652 = arith.constant 0 : i32
      %dma_start3A_653 = arith.constant 0 : i32
      %dma_start3A_654 = tpu.memref_slice %arg8[%rem3A_587, %dma_start3A_636, %dma_start3A_651, %dma_start3A_652, %dma_start3A_653] : memref<2x6x4x8x128xf32, #tpu.memory_space<vmem>> -> memref<1x1x4x8x128xf32, #tpu.memory_space<vmem>>
      %dma_start3A_655 = tpu.memref_squeeze %dma_start3A_654 : memref<1x1x4x8x128xf32, #tpu.memory_space<vmem>> -> memref<4x8x128xf32, #tpu.memory_space<vmem>>
      tpu.enqueue_dma source(%dma_start3A_655 : memref<4x8x128xf32, #tpu.memory_space<vmem>>) target(%dma_start3A_650 : memref<4x8x128xf32, #tpu.memory_space<hbm>>) target_semaphore(%arg14 : memref<!tpu.dma_semaphore, #tpu.memory_space<semaphore_mem>>)
      %dma_start3A_656 = arith.constant 2 : i32
      %dma_start3A_657 = arith.constant 2 : i32
      %dma_start3A_658 = arith.constant 0 : i32
      %dma_start3A_659 = arith.constant 0 : i32
      %dma_start3A_660 = arith.constant 0 : i32
      %dma_start3A_661 = tpu.memref_slice %arg8[%rem3A_587, %dma_start3A_656, %dma_start3A_658, %dma_start3A_659, %dma_start3A_660] : memref<2x6x4x8x128xf32, #tpu.memory_space<vmem>> -> memref<1x1x4x8x128xf32, #tpu.memory_space<vmem>>
      %dma_start3A_662 = tpu.memref_squeeze %dma_start3A_661 : memref<1x1x4x8x128xf32, #tpu.memory_space<vmem>> -> memref<4x8x128xf32, #tpu.memory_space<vmem>>
      %dma_start3A_663 = arith.constant 0 : i32
      %dma_start3A_664 = arith.constant 0 : i32
      %dma_start3A_665 = tpu.memref_slice %arg6[%dma_start3A_657, %scan3A_584, %mul3A_2, %dma_start3A_663, %dma_start3A_664] : memref<6x25x128x8x128xf32, #tpu.memory_space<hbm>> -> memref<1x1x4x8x128xf32, #tpu.memory_space<hbm>>
      %dma_start3A_666 = tpu.memref_squeeze %dma_start3A_665 : memref<1x1x4x8x128xf32, #tpu.memory_space<hbm>> -> memref<4x8x128xf32, #tpu.memory_space<hbm>>
      %dma_start3A_667 = arith.constant 0 : i32
      %dma_start3A_668 = arith.constant 0 : i32
      %dma_start3A_669 = tpu.memref_slice %arg6[%dma_start3A_657, %scan3A_584, %mul3A_2, %dma_start3A_667, %dma_start3A_668] : memref<6x25x128x8x128xf32, #tpu.memory_space<hbm>> -> memref<1x1x4x8x128xf32, #tpu.memory_space<hbm>>
      %dma_start3A_670 = tpu.memref_squeeze %dma_start3A_669 : memref<1x1x4x8x128xf32, #tpu.memory_space<hbm>> -> memref<4x8x128xf32, #tpu.memory_space<hbm>>
      %dma_start3A_671 = arith.constant 0 : i32
      %dma_start3A_672 = arith.constant 0 : i32
      %dma_start3A_673 = arith.constant 0 : i32
      %dma_start3A_674 = tpu.memref_slice %arg8[%rem3A_587, %dma_start3A_656, %dma_start3A_671, %dma_start3A_672, %dma_start3A_673] : memref<2x6x4x8x128xf32, #tpu.memory_space<vmem>> -> memref<1x1x4x8x128xf32, #tpu.memory_space<vmem>>
      %dma_start3A_675 = tpu.memref_squeeze %dma_start3A_674 : memref<1x1x4x8x128xf32, #tpu.memory_space<vmem>> -> memref<4x8x128xf32, #tpu.memory_space<vmem>>
      tpu.enqueue_dma source(%dma_start3A_675 : memref<4x8x128xf32, #tpu.memory_space<vmem>>) target(%dma_start3A_670 : memref<4x8x128xf32, #tpu.memory_space<hbm>>) target_semaphore(%arg14 : memref<!tpu.dma_semaphore, #tpu.memory_space<semaphore_mem>>)
      %dma_start3A_676 = arith.constant 3 : i32
      %dma_start3A_677 = arith.constant 3 : i32
      %dma_start3A_678 = arith.constant 0 : i32
      %dma_start3A_679 = arith.constant 0 : i32
      %dma_start3A_680 = arith.constant 0 : i32
      %dma_start3A_681 = tpu.memref_slice %arg8[%rem3A_587, %dma_start3A_676, %dma_start3A_678, %dma_start3A_679, %dma_start3A_680] : memref<2x6x4x8x128xf32, #tpu.memory_space<vmem>> -> memref<1x1x4x8x128xf32, #tpu.memory_space<vmem>>
      %dma_start3A_682 = tpu.memref_squeeze %dma_start3A_681 : memref<1x1x4x8x128xf32, #tpu.memory_space<vmem>> -> memref<4x8x128xf32, #tpu.memory_space<vmem>>
      %dma_start3A_683 = arith.constant 0 : i32
      %dma_start3A_684 = arith.constant 0 : i32
      %dma_start3A_685 = tpu.memref_slice %arg6[%dma_start3A_677, %scan3A_584, %mul3A_2, %dma_start3A_683, %dma_start3A_684] : memref<6x25x128x8x128xf32, #tpu.memory_space<hbm>> -> memref<1x1x4x8x128xf32, #tpu.memory_space<hbm>>
      %dma_start3A_686 = tpu.memref_squeeze %dma_start3A_685 : memref<1x1x4x8x128xf32, #tpu.memory_space<hbm>> -> memref<4x8x128xf32, #tpu.memory_space<hbm>>
      %dma_start3A_687 = arith.constant 0 : i32
      %dma_start3A_688 = arith.constant 0 : i32
      %dma_start3A_689 = tpu.memref_slice %arg6[%dma_start3A_677, %scan3A_584, %mul3A_2, %dma_start3A_687, %dma_start3A_688] : memref<6x25x128x8x128xf32, #tpu.memory_space<hbm>> -> memref<1x1x4x8x128xf32, #tpu.memory_space<hbm>>
      %dma_start3A_690 = tpu.memref_squeeze %dma_start3A_689 : memref<1x1x4x8x128xf32, #tpu.memory_space<hbm>> -> memref<4x8x128xf32, #tpu.memory_space<hbm>>
      %dma_start3A_691 = arith.constant 0 : i32
      %dma_start3A_692 = arith.constant 0 : i32
      %dma_start3A_693 = arith.constant 0 : i32
      %dma_start3A_694 = tpu.memref_slice %arg8[%rem3A_587, %dma_start3A_676, %dma_start3A_691, %dma_start3A_692, %dma_start3A_693] : memref<2x6x4x8x128xf32, #tpu.memory_space<vmem>> -> memref<1x1x4x8x128xf32, #tpu.memory_space<vmem>>
      %dma_start3A_695 = tpu.memref_squeeze %dma_start3A_694 : memref<1x1x4x8x128xf32, #tpu.memory_space<vmem>> -> memref<4x8x128xf32, #tpu.memory_space<vmem>>
      tpu.enqueue_dma source(%dma_start3A_695 : memref<4x8x128xf32, #tpu.memory_space<vmem>>) target(%dma_start3A_690 : memref<4x8x128xf32, #tpu.memory_space<hbm>>) target_semaphore(%arg14 : memref<!tpu.dma_semaphore, #tpu.memory_space<semaphore_mem>>)
      %dma_start3A_696 = arith.constant 4 : i32
      %dma_start3A_697 = arith.constant 4 : i32
      %dma_start3A_698 = arith.constant 0 : i32
      %dma_start3A_699 = arith.constant 0 : i32
      %dma_start3A_700 = arith.constant 0 : i32
      %dma_start3A_701 = tpu.memref_slice %arg8[%rem3A_587, %dma_start3A_696, %dma_start3A_698, %dma_start3A_699, %dma_start3A_700] : memref<2x6x4x8x128xf32, #tpu.memory_space<vmem>> -> memref<1x1x4x8x128xf32, #tpu.memory_space<vmem>>
      %dma_start3A_702 = tpu.memref_squeeze %dma_start3A_701 : memref<1x1x4x8x128xf32, #tpu.memory_space<vmem>> -> memref<4x8x128xf32, #tpu.memory_space<vmem>>
      %dma_start3A_703 = arith.constant 0 : i32
      %dma_start3A_704 = arith.constant 0 : i32
      %dma_start3A_705 = tpu.memref_slice %arg6[%dma_start3A_697, %scan3A_584, %mul3A_2, %dma_start3A_703, %dma_start3A_704] : memref<6x25x128x8x128xf32, #tpu.memory_space<hbm>> -> memref<1x1x4x8x128xf32, #tpu.memory_space<hbm>>
      %dma_start3A_706 = tpu.memref_squeeze %dma_start3A_705 : memref<1x1x4x8x128xf32, #tpu.memory_space<hbm>> -> memref<4x8x128xf32, #tpu.memory_space<hbm>>
      %dma_start3A_707 = arith.constant 0 : i32
      %dma_start3A_708 = arith.constant 0 : i32
      %dma_start3A_709 = tpu.memref_slice %arg6[%dma_start3A_697, %scan3A_584, %mul3A_2, %dma_start3A_707, %dma_start3A_708] : memref<6x25x128x8x128xf32, #tpu.memory_space<hbm>> -> memref<1x1x4x8x128xf32, #tpu.memory_space<hbm>>
      %dma_start3A_710 = tpu.memref_squeeze %dma_start3A_709 : memref<1x1x4x8x128xf32, #tpu.memory_space<hbm>> -> memref<4x8x128xf32, #tpu.memory_space<hbm>>
      %dma_start3A_711 = arith.constant 0 : i32
      %dma_start3A_712 = arith.constant 0 : i32
      %dma_start3A_713 = arith.constant 0 : i32
      %dma_start3A_714 = tpu.memref_slice %arg8[%rem3A_587, %dma_start3A_696, %dma_start3A_711, %dma_start3A_712, %dma_start3A_713] : memref<2x6x4x8x128xf32, #tpu.memory_space<vmem>> -> memref<1x1x4x8x128xf32, #tpu.memory_space<vmem>>
      %dma_start3A_715 = tpu.memref_squeeze %dma_start3A_714 : memref<1x1x4x8x128xf32, #tpu.memory_space<vmem>> -> memref<4x8x128xf32, #tpu.memory_space<vmem>>
      tpu.enqueue_dma source(%dma_start3A_715 : memref<4x8x128xf32, #tpu.memory_space<vmem>>) target(%dma_start3A_710 : memref<4x8x128xf32, #tpu.memory_space<hbm>>) target_semaphore(%arg14 : memref<!tpu.dma_semaphore, #tpu.memory_space<semaphore_mem>>)
      %dma_start3A_716 = arith.constant 5 : i32
      %dma_start3A_717 = arith.constant 5 : i32
      %dma_start3A_718 = arith.constant 0 : i32
      %dma_start3A_719 = arith.constant 0 : i32
      %dma_start3A_720 = arith.constant 0 : i32
      %dma_start3A_721 = tpu.memref_slice %arg8[%rem3A_587, %dma_start3A_716, %dma_start3A_718, %dma_start3A_719, %dma_start3A_720] : memref<2x6x4x8x128xf32, #tpu.memory_space<vmem>> -> memref<1x1x4x8x128xf32, #tpu.memory_space<vmem>>
      %dma_start3A_722 = tpu.memref_squeeze %dma_start3A_721 : memref<1x1x4x8x128xf32, #tpu.memory_space<vmem>> -> memref<4x8x128xf32, #tpu.memory_space<vmem>>
      %dma_start3A_723 = arith.constant 0 : i32
      %dma_start3A_724 = arith.constant 0 : i32
      %dma_start3A_725 = tpu.memref_slice %arg6[%dma_start3A_717, %scan3A_584, %mul3A_2, %dma_start3A_723, %dma_start3A_724] : memref<6x25x128x8x128xf32, #tpu.memory_space<hbm>> -> memref<1x1x4x8x128xf32, #tpu.memory_space<hbm>>
      %dma_start3A_726 = tpu.memref_squeeze %dma_start3A_725 : memref<1x1x4x8x128xf32, #tpu.memory_space<hbm>> -> memref<4x8x128xf32, #tpu.memory_space<hbm>>
      %dma_start3A_727 = arith.constant 0 : i32
      %dma_start3A_728 = arith.constant 0 : i32
      %dma_start3A_729 = tpu.memref_slice %arg6[%dma_start3A_717, %scan3A_584, %mul3A_2, %dma_start3A_727, %dma_start3A_728] : memref<6x25x128x8x128xf32, #tpu.memory_space<hbm>> -> memref<1x1x4x8x128xf32, #tpu.memory_space<hbm>>
      %dma_start3A_730 = tpu.memref_squeeze %dma_start3A_729 : memref<1x1x4x8x128xf32, #tpu.memory_space<hbm>> -> memref<4x8x128xf32, #tpu.memory_space<hbm>>
      %dma_start3A_731 = arith.constant 0 : i32
      %dma_start3A_732 = arith.constant 0 : i32
      %dma_start3A_733 = arith.constant 0 : i32
      %dma_start3A_734 = tpu.memref_slice %arg8[%rem3A_587, %dma_start3A_716, %dma_start3A_731, %dma_start3A_732, %dma_start3A_733] : memref<2x6x4x8x128xf32, #tpu.memory_space<vmem>> -> memref<1x1x4x8x128xf32, #tpu.memory_space<vmem>>
      %dma_start3A_735 = tpu.memref_squeeze %dma_start3A_734 : memref<1x1x4x8x128xf32, #tpu.memory_space<vmem>> -> memref<4x8x128xf32, #tpu.memory_space<vmem>>
      tpu.enqueue_dma source(%dma_start3A_735 : memref<4x8x128xf32, #tpu.memory_space<vmem>>) target(%dma_start3A_730 : memref<4x8x128xf32, #tpu.memory_space<hbm>>) target_semaphore(%arg14 : memref<!tpu.dma_semaphore, #tpu.memory_space<semaphore_mem>>)
      %scan3A_736 = arith.constant 0 : i32
      scf.yield %scan3A_736 : i32
    }
    %scan3A_295 = arith.constant 25 : i32
    %rem3A_296 = arith.constant 23 : i32
    %rem3A_297 = arith.constant 2 : i32
    %rem3A_298 = arith.remsi %rem3A_296, %rem3A_297 : i32
    %dma_wait3A_299 = arith.constant 0 : i32
    %dma_wait3A_300 = arith.constant 0 : i32
    %dma_wait3A_301 = arith.constant 23 : i32
    %dma_wait3A_302 = arith.constant 0 : i32
    %dma_wait3A_303 = arith.constant 0 : i32
    %dma_wait3A_304 = arith.constant 0 : i32
    %dma_wait3A_305 = tpu.memref_slice %arg8[%rem3A_298, %dma_wait3A_299, %dma_wait3A_302, %dma_wait3A_303, %dma_wait3A_304] : memref<2x6x4x8x128xf32, #tpu.memory_space<vmem>> -> memref<1x1x4x8x128xf32, #tpu.memory_space<vmem>>
    %dma_wait3A_306 = tpu.memref_squeeze %dma_wait3A_305 : memref<1x1x4x8x128xf32, #tpu.memory_space<vmem>> -> memref<4x8x128xf32, #tpu.memory_space<vmem>>
    %dma_wait3A_307 = arith.constant 0 : i32
    %dma_wait3A_308 = arith.constant 0 : i32
    %dma_wait3A_309 = tpu.memref_slice %arg6[%dma_wait3A_300, %dma_wait3A_301, %mul3A_2, %dma_wait3A_307, %dma_wait3A_308] : memref<6x25x128x8x128xf32, #tpu.memory_space<hbm>> -> memref<1x1x4x8x128xf32, #tpu.memory_space<hbm>>
    %dma_wait3A_310 = tpu.memref_squeeze %dma_wait3A_309 : memref<1x1x4x8x128xf32, #tpu.memory_space<hbm>> -> memref<4x8x128xf32, #tpu.memory_space<hbm>>
    %dma_wait3A_311 = arith.constant 0 : i32
    %dma_wait3A_312 = arith.constant 0 : i32
    %dma_wait3A_313 = tpu.memref_slice %arg6[%dma_wait3A_300, %dma_wait3A_301, %mul3A_2, %dma_wait3A_311, %dma_wait3A_312] : memref<6x25x128x8x128xf32, #tpu.memory_space<hbm>> -> memref<1x1x4x8x128xf32, #tpu.memory_space<hbm>>
    %dma_wait3A_314 = tpu.memref_squeeze %dma_wait3A_313 : memref<1x1x4x8x128xf32, #tpu.memory_space<hbm>> -> memref<4x8x128xf32, #tpu.memory_space<hbm>>
    %dma_wait3A_315 = arith.constant 0 : i32
    %dma_wait3A_316 = arith.constant 0 : i32
    %dma_wait3A_317 = arith.constant 0 : i32
    %dma_wait3A_318 = tpu.memref_slice %arg8[%rem3A_298, %dma_wait3A_299, %dma_wait3A_315, %dma_wait3A_316, %dma_wait3A_317] : memref<2x6x4x8x128xf32, #tpu.memory_space<vmem>> -> memref<1x1x4x8x128xf32, #tpu.memory_space<vmem>>
    %dma_wait3A_319 = tpu.memref_squeeze %dma_wait3A_318 : memref<1x1x4x8x128xf32, #tpu.memory_space<vmem>> -> memref<4x8x128xf32, #tpu.memory_space<vmem>>
    tpu.wait_dma2 semaphore(%arg14 : memref<!tpu.dma_semaphore, #tpu.memory_space<semaphore_mem>>) src(%dma_wait3A_319 : memref<4x8x128xf32, #tpu.memory_space<vmem>>) dst(%dma_wait3A_314 : memref<4x8x128xf32, #tpu.memory_space<hbm>>)
    %rem3A_320 = arith.constant 23 : i32
    %rem3A_321 = arith.constant 2 : i32
    %rem3A_322 = arith.remsi %rem3A_320, %rem3A_321 : i32
    %dma_wait3A_323 = arith.constant 1 : i32
    %dma_wait3A_324 = arith.constant 1 : i32
    %dma_wait3A_325 = arith.constant 23 : i32
    %dma_wait3A_326 = arith.constant 0 : i32
    %dma_wait3A_327 = arith.constant 0 : i32
    %dma_wait3A_328 = arith.constant 0 : i32
    %dma_wait3A_329 = tpu.memref_slice %arg8[%rem3A_322, %dma_wait3A_323, %dma_wait3A_326, %dma_wait3A_327, %dma_wait3A_328] : memref<2x6x4x8x128xf32, #tpu.memory_space<vmem>> -> memref<1x1x4x8x128xf32, #tpu.memory_space<vmem>>
    %dma_wait3A_330 = tpu.memref_squeeze %dma_wait3A_329 : memref<1x1x4x8x128xf32, #tpu.memory_space<vmem>> -> memref<4x8x128xf32, #tpu.memory_space<vmem>>
    %dma_wait3A_331 = arith.constant 0 : i32
    %dma_wait3A_332 = arith.constant 0 : i32
    %dma_wait3A_333 = tpu.memref_slice %arg6[%dma_wait3A_324, %dma_wait3A_325, %mul3A_2, %dma_wait3A_331, %dma_wait3A_332] : memref<6x25x128x8x128xf32, #tpu.memory_space<hbm>> -> memref<1x1x4x8x128xf32, #tpu.memory_space<hbm>>
    %dma_wait3A_334 = tpu.memref_squeeze %dma_wait3A_333 : memref<1x1x4x8x128xf32, #tpu.memory_space<hbm>> -> memref<4x8x128xf32, #tpu.memory_space<hbm>>
    %dma_wait3A_335 = arith.constant 0 : i32
    %dma_wait3A_336 = arith.constant 0 : i32
    %dma_wait3A_337 = tpu.memref_slice %arg6[%dma_wait3A_324, %dma_wait3A_325, %mul3A_2, %dma_wait3A_335, %dma_wait3A_336] : memref<6x25x128x8x128xf32, #tpu.memory_space<hbm>> -> memref<1x1x4x8x128xf32, #tpu.memory_space<hbm>>
    %dma_wait3A_338 = tpu.memref_squeeze %dma_wait3A_337 : memref<1x1x4x8x128xf32, #tpu.memory_space<hbm>> -> memref<4x8x128xf32, #tpu.memory_space<hbm>>
    %dma_wait3A_339 = arith.constant 0 : i32
    %dma_wait3A_340 = arith.constant 0 : i32
    %dma_wait3A_341 = arith.constant 0 : i32
    %dma_wait3A_342 = tpu.memref_slice %arg8[%rem3A_322, %dma_wait3A_323, %dma_wait3A_339, %dma_wait3A_340, %dma_wait3A_341] : memref<2x6x4x8x128xf32, #tpu.memory_space<vmem>> -> memref<1x1x4x8x128xf32, #tpu.memory_space<vmem>>
    %dma_wait3A_343 = tpu.memref_squeeze %dma_wait3A_342 : memref<1x1x4x8x128xf32, #tpu.memory_space<vmem>> -> memref<4x8x128xf32, #tpu.memory_space<vmem>>
    tpu.wait_dma2 semaphore(%arg14 : memref<!tpu.dma_semaphore, #tpu.memory_space<semaphore_mem>>) src(%dma_wait3A_343 : memref<4x8x128xf32, #tpu.memory_space<vmem>>) dst(%dma_wait3A_338 : memref<4x8x128xf32, #tpu.memory_space<hbm>>)
    %rem3A_344 = arith.constant 23 : i32
    %rem3A_345 = arith.constant 2 : i32
    %rem3A_346 = arith.remsi %rem3A_344, %rem3A_345 : i32
    %dma_wait3A_347 = arith.constant 2 : i32
    %dma_wait3A_348 = arith.constant 2 : i32
    %dma_wait3A_349 = arith.constant 23 : i32
    %dma_wait3A_350 = arith.constant 0 : i32
    %dma_wait3A_351 = arith.constant 0 : i32
    %dma_wait3A_352 = arith.constant 0 : i32
    %dma_wait3A_353 = tpu.memref_slice %arg8[%rem3A_346, %dma_wait3A_347, %dma_wait3A_350, %dma_wait3A_351, %dma_wait3A_352] : memref<2x6x4x8x128xf32, #tpu.memory_space<vmem>> -> memref<1x1x4x8x128xf32, #tpu.memory_space<vmem>>
    %dma_wait3A_354 = tpu.memref_squeeze %dma_wait3A_353 : memref<1x1x4x8x128xf32, #tpu.memory_space<vmem>> -> memref<4x8x128xf32, #tpu.memory_space<vmem>>
    %dma_wait3A_355 = arith.constant 0 : i32
    %dma_wait3A_356 = arith.constant 0 : i32
    %dma_wait3A_357 = tpu.memref_slice %arg6[%dma_wait3A_348, %dma_wait3A_349, %mul3A_2, %dma_wait3A_355, %dma_wait3A_356] : memref<6x25x128x8x128xf32, #tpu.memory_space<hbm>> -> memref<1x1x4x8x128xf32, #tpu.memory_space<hbm>>
    %dma_wait3A_358 = tpu.memref_squeeze %dma_wait3A_357 : memref<1x1x4x8x128xf32, #tpu.memory_space<hbm>> -> memref<4x8x128xf32, #tpu.memory_space<hbm>>
    %dma_wait3A_359 = arith.constant 0 : i32
    %dma_wait3A_360 = arith.constant 0 : i32
    %dma_wait3A_361 = tpu.memref_slice %arg6[%dma_wait3A_348, %dma_wait3A_349, %mul3A_2, %dma_wait3A_359, %dma_wait3A_360] : memref<6x25x128x8x128xf32, #tpu.memory_space<hbm>> -> memref<1x1x4x8x128xf32, #tpu.memory_space<hbm>>
    %dma_wait3A_362 = tpu.memref_squeeze %dma_wait3A_361 : memref<1x1x4x8x128xf32, #tpu.memory_space<hbm>> -> memref<4x8x128xf32, #tpu.memory_space<hbm>>
    %dma_wait3A_363 = arith.constant 0 : i32
    %dma_wait3A_364 = arith.constant 0 : i32
    %dma_wait3A_365 = arith.constant 0 : i32
    %dma_wait3A_366 = tpu.memref_slice %arg8[%rem3A_346, %dma_wait3A_347, %dma_wait3A_363, %dma_wait3A_364, %dma_wait3A_365] : memref<2x6x4x8x128xf32, #tpu.memory_space<vmem>> -> memref<1x1x4x8x128xf32, #tpu.memory_space<vmem>>
    %dma_wait3A_367 = tpu.memref_squeeze %dma_wait3A_366 : memref<1x1x4x8x128xf32, #tpu.memory_space<vmem>> -> memref<4x8x128xf32, #tpu.memory_space<vmem>>
    tpu.wait_dma2 semaphore(%arg14 : memref<!tpu.dma_semaphore, #tpu.memory_space<semaphore_mem>>) src(%dma_wait3A_367 : memref<4x8x128xf32, #tpu.memory_space<vmem>>) dst(%dma_wait3A_362 : memref<4x8x128xf32, #tpu.memory_space<hbm>>)
    %rem3A_368 = arith.constant 23 : i32
    %rem3A_369 = arith.constant 2 : i32
    %rem3A_370 = arith.remsi %rem3A_368, %rem3A_369 : i32
    %dma_wait3A_371 = arith.constant 3 : i32
    %dma_wait3A_372 = arith.constant 3 : i32
    %dma_wait3A_373 = arith.constant 23 : i32
    %dma_wait3A_374 = arith.constant 0 : i32
    %dma_wait3A_375 = arith.constant 0 : i32
    %dma_wait3A_376 = arith.constant 0 : i32
    %dma_wait3A_377 = tpu.memref_slice %arg8[%rem3A_370, %dma_wait3A_371, %dma_wait3A_374, %dma_wait3A_375, %dma_wait3A_376] : memref<2x6x4x8x128xf32, #tpu.memory_space<vmem>> -> memref<1x1x4x8x128xf32, #tpu.memory_space<vmem>>
    %dma_wait3A_378 = tpu.memref_squeeze %dma_wait3A_377 : memref<1x1x4x8x128xf32, #tpu.memory_space<vmem>> -> memref<4x8x128xf32, #tpu.memory_space<vmem>>
    %dma_wait3A_379 = arith.constant 0 : i32
    %dma_wait3A_380 = arith.constant 0 : i32
    %dma_wait3A_381 = tpu.memref_slice %arg6[%dma_wait3A_372, %dma_wait3A_373, %mul3A_2, %dma_wait3A_379, %dma_wait3A_380] : memref<6x25x128x8x128xf32, #tpu.memory_space<hbm>> -> memref<1x1x4x8x128xf32, #tpu.memory_space<hbm>>
    %dma_wait3A_382 = tpu.memref_squeeze %dma_wait3A_381 : memref<1x1x4x8x128xf32, #tpu.memory_space<hbm>> -> memref<4x8x128xf32, #tpu.memory_space<hbm>>
    %dma_wait3A_383 = arith.constant 0 : i32
    %dma_wait3A_384 = arith.constant 0 : i32
    %dma_wait3A_385 = tpu.memref_slice %arg6[%dma_wait3A_372, %dma_wait3A_373, %mul3A_2, %dma_wait3A_383, %dma_wait3A_384] : memref<6x25x128x8x128xf32, #tpu.memory_space<hbm>> -> memref<1x1x4x8x128xf32, #tpu.memory_space<hbm>>
    %dma_wait3A_386 = tpu.memref_squeeze %dma_wait3A_385 : memref<1x1x4x8x128xf32, #tpu.memory_space<hbm>> -> memref<4x8x128xf32, #tpu.memory_space<hbm>>
    %dma_wait3A_387 = arith.constant 0 : i32
    %dma_wait3A_388 = arith.constant 0 : i32
    %dma_wait3A_389 = arith.constant 0 : i32
    %dma_wait3A_390 = tpu.memref_slice %arg8[%rem3A_370, %dma_wait3A_371, %dma_wait3A_387, %dma_wait3A_388, %dma_wait3A_389] : memref<2x6x4x8x128xf32, #tpu.memory_space<vmem>> -> memref<1x1x4x8x128xf32, #tpu.memory_space<vmem>>
    %dma_wait3A_391 = tpu.memref_squeeze %dma_wait3A_390 : memref<1x1x4x8x128xf32, #tpu.memory_space<vmem>> -> memref<4x8x128xf32, #tpu.memory_space<vmem>>
    tpu.wait_dma2 semaphore(%arg14 : memref<!tpu.dma_semaphore, #tpu.memory_space<semaphore_mem>>) src(%dma_wait3A_391 : memref<4x8x128xf32, #tpu.memory_space<vmem>>) dst(%dma_wait3A_386 : memref<4x8x128xf32, #tpu.memory_space<hbm>>)
    %rem3A_392 = arith.constant 23 : i32
    %rem3A_393 = arith.constant 2 : i32
    %rem3A_394 = arith.remsi %rem3A_392, %rem3A_393 : i32
    %dma_wait3A_395 = arith.constant 4 : i32
    %dma_wait3A_396 = arith.constant 4 : i32
    %dma_wait3A_397 = arith.constant 23 : i32
    %dma_wait3A_398 = arith.constant 0 : i32
    %dma_wait3A_399 = arith.constant 0 : i32
    %dma_wait3A_400 = arith.constant 0 : i32
    %dma_wait3A_401 = tpu.memref_slice %arg8[%rem3A_394, %dma_wait3A_395, %dma_wait3A_398, %dma_wait3A_399, %dma_wait3A_400] : memref<2x6x4x8x128xf32, #tpu.memory_space<vmem>> -> memref<1x1x4x8x128xf32, #tpu.memory_space<vmem>>
    %dma_wait3A_402 = tpu.memref_squeeze %dma_wait3A_401 : memref<1x1x4x8x128xf32, #tpu.memory_space<vmem>> -> memref<4x8x128xf32, #tpu.memory_space<vmem>>
    %dma_wait3A_403 = arith.constant 0 : i32
    %dma_wait3A_404 = arith.constant 0 : i32
    %dma_wait3A_405 = tpu.memref_slice %arg6[%dma_wait3A_396, %dma_wait3A_397, %mul3A_2, %dma_wait3A_403, %dma_wait3A_404] : memref<6x25x128x8x128xf32, #tpu.memory_space<hbm>> -> memref<1x1x4x8x128xf32, #tpu.memory_space<hbm>>
    %dma_wait3A_406 = tpu.memref_squeeze %dma_wait3A_405 : memref<1x1x4x8x128xf32, #tpu.memory_space<hbm>> -> memref<4x8x128xf32, #tpu.memory_space<hbm>>
    %dma_wait3A_407 = arith.constant 0 : i32
    %dma_wait3A_408 = arith.constant 0 : i32
    %dma_wait3A_409 = tpu.memref_slice %arg6[%dma_wait3A_396, %dma_wait3A_397, %mul3A_2, %dma_wait3A_407, %dma_wait3A_408] : memref<6x25x128x8x128xf32, #tpu.memory_space<hbm>> -> memref<1x1x4x8x128xf32, #tpu.memory_space<hbm>>
    %dma_wait3A_410 = tpu.memref_squeeze %dma_wait3A_409 : memref<1x1x4x8x128xf32, #tpu.memory_space<hbm>> -> memref<4x8x128xf32, #tpu.memory_space<hbm>>
    %dma_wait3A_411 = arith.constant 0 : i32
    %dma_wait3A_412 = arith.constant 0 : i32
    %dma_wait3A_413 = arith.constant 0 : i32
    %dma_wait3A_414 = tpu.memref_slice %arg8[%rem3A_394, %dma_wait3A_395, %dma_wait3A_411, %dma_wait3A_412, %dma_wait3A_413] : memref<2x6x4x8x128xf32, #tpu.memory_space<vmem>> -> memref<1x1x4x8x128xf32, #tpu.memory_space<vmem>>
    %dma_wait3A_415 = tpu.memref_squeeze %dma_wait3A_414 : memref<1x1x4x8x128xf32, #tpu.memory_space<vmem>> -> memref<4x8x128xf32, #tpu.memory_space<vmem>>
    tpu.wait_dma2 semaphore(%arg14 : memref<!tpu.dma_semaphore, #tpu.memory_space<semaphore_mem>>) src(%dma_wait3A_415 : memref<4x8x128xf32, #tpu.memory_space<vmem>>) dst(%dma_wait3A_410 : memref<4x8x128xf32, #tpu.memory_space<hbm>>)
    %rem3A_416 = arith.constant 23 : i32
    %rem3A_417 = arith.constant 2 : i32
    %rem3A_418 = arith.remsi %rem3A_416, %rem3A_417 : i32
    %dma_wait3A_419 = arith.constant 5 : i32
    %dma_wait3A_420 = arith.constant 5 : i32
    %dma_wait3A_421 = arith.constant 23 : i32
    %dma_wait3A_422 = arith.constant 0 : i32
    %dma_wait3A_423 = arith.constant 0 : i32
    %dma_wait3A_424 = arith.constant 0 : i32
    %dma_wait3A_425 = tpu.memref_slice %arg8[%rem3A_418, %dma_wait3A_419, %dma_wait3A_422, %dma_wait3A_423, %dma_wait3A_424] : memref<2x6x4x8x128xf32, #tpu.memory_space<vmem>> -> memref<1x1x4x8x128xf32, #tpu.memory_space<vmem>>
    %dma_wait3A_426 = tpu.memref_squeeze %dma_wait3A_425 : memref<1x1x4x8x128xf32, #tpu.memory_space<vmem>> -> memref<4x8x128xf32, #tpu.memory_space<vmem>>
    %dma_wait3A_427 = arith.constant 0 : i32
    %dma_wait3A_428 = arith.constant 0 : i32
    %dma_wait3A_429 = tpu.memref_slice %arg6[%dma_wait3A_420, %dma_wait3A_421, %mul3A_2, %dma_wait3A_427, %dma_wait3A_428] : memref<6x25x128x8x128xf32, #tpu.memory_space<hbm>> -> memref<1x1x4x8x128xf32, #tpu.memory_space<hbm>>
    %dma_wait3A_430 = tpu.memref_squeeze %dma_wait3A_429 : memref<1x1x4x8x128xf32, #tpu.memory_space<hbm>> -> memref<4x8x128xf32, #tpu.memory_space<hbm>>
    %dma_wait3A_431 = arith.constant 0 : i32
    %dma_wait3A_432 = arith.constant 0 : i32
    %dma_wait3A_433 = tpu.memref_slice %arg6[%dma_wait3A_420, %dma_wait3A_421, %mul3A_2, %dma_wait3A_431, %dma_wait3A_432] : memref<6x25x128x8x128xf32, #tpu.memory_space<hbm>> -> memref<1x1x4x8x128xf32, #tpu.memory_space<hbm>>
    %dma_wait3A_434 = tpu.memref_squeeze %dma_wait3A_433 : memref<1x1x4x8x128xf32, #tpu.memory_space<hbm>> -> memref<4x8x128xf32, #tpu.memory_space<hbm>>
    %dma_wait3A_435 = arith.constant 0 : i32
    %dma_wait3A_436 = arith.constant 0 : i32
    %dma_wait3A_437 = arith.constant 0 : i32
    %dma_wait3A_438 = tpu.memref_slice %arg8[%rem3A_418, %dma_wait3A_419, %dma_wait3A_435, %dma_wait3A_436, %dma_wait3A_437] : memref<2x6x4x8x128xf32, #tpu.memory_space<vmem>> -> memref<1x1x4x8x128xf32, #tpu.memory_space<vmem>>
    %dma_wait3A_439 = tpu.memref_squeeze %dma_wait3A_438 : memref<1x1x4x8x128xf32, #tpu.memory_space<vmem>> -> memref<4x8x128xf32, #tpu.memory_space<vmem>>
    tpu.wait_dma2 semaphore(%arg14 : memref<!tpu.dma_semaphore, #tpu.memory_space<semaphore_mem>>) src(%dma_wait3A_439 : memref<4x8x128xf32, #tpu.memory_space<vmem>>) dst(%dma_wait3A_434 : memref<4x8x128xf32, #tpu.memory_space<hbm>>)
    %rem3A_440 = arith.constant 24 : i32
    %rem3A_441 = arith.constant 2 : i32
    %rem3A_442 = arith.remsi %rem3A_440, %rem3A_441 : i32
    %dma_wait3A_443 = arith.constant 0 : i32
    %dma_wait3A_444 = arith.constant 0 : i32
    %dma_wait3A_445 = arith.constant 24 : i32
    %dma_wait3A_446 = arith.constant 0 : i32
    %dma_wait3A_447 = arith.constant 0 : i32
    %dma_wait3A_448 = arith.constant 0 : i32
    %dma_wait3A_449 = tpu.memref_slice %arg8[%rem3A_442, %dma_wait3A_443, %dma_wait3A_446, %dma_wait3A_447, %dma_wait3A_448] : memref<2x6x4x8x128xf32, #tpu.memory_space<vmem>> -> memref<1x1x4x8x128xf32, #tpu.memory_space<vmem>>
    %dma_wait3A_450 = tpu.memref_squeeze %dma_wait3A_449 : memref<1x1x4x8x128xf32, #tpu.memory_space<vmem>> -> memref<4x8x128xf32, #tpu.memory_space<vmem>>
    %dma_wait3A_451 = arith.constant 0 : i32
    %dma_wait3A_452 = arith.constant 0 : i32
    %dma_wait3A_453 = tpu.memref_slice %arg6[%dma_wait3A_444, %dma_wait3A_445, %mul3A_2, %dma_wait3A_451, %dma_wait3A_452] : memref<6x25x128x8x128xf32, #tpu.memory_space<hbm>> -> memref<1x1x4x8x128xf32, #tpu.memory_space<hbm>>
    %dma_wait3A_454 = tpu.memref_squeeze %dma_wait3A_453 : memref<1x1x4x8x128xf32, #tpu.memory_space<hbm>> -> memref<4x8x128xf32, #tpu.memory_space<hbm>>
    %dma_wait3A_455 = arith.constant 0 : i32
    %dma_wait3A_456 = arith.constant 0 : i32
    %dma_wait3A_457 = tpu.memref_slice %arg6[%dma_wait3A_444, %dma_wait3A_445, %mul3A_2, %dma_wait3A_455, %dma_wait3A_456] : memref<6x25x128x8x128xf32, #tpu.memory_space<hbm>> -> memref<1x1x4x8x128xf32, #tpu.memory_space<hbm>>
    %dma_wait3A_458 = tpu.memref_squeeze %dma_wait3A_457 : memref<1x1x4x8x128xf32, #tpu.memory_space<hbm>> -> memref<4x8x128xf32, #tpu.memory_space<hbm>>
    %dma_wait3A_459 = arith.constant 0 : i32
    %dma_wait3A_460 = arith.constant 0 : i32
    %dma_wait3A_461 = arith.constant 0 : i32
    %dma_wait3A_462 = tpu.memref_slice %arg8[%rem3A_442, %dma_wait3A_443, %dma_wait3A_459, %dma_wait3A_460, %dma_wait3A_461] : memref<2x6x4x8x128xf32, #tpu.memory_space<vmem>> -> memref<1x1x4x8x128xf32, #tpu.memory_space<vmem>>
    %dma_wait3A_463 = tpu.memref_squeeze %dma_wait3A_462 : memref<1x1x4x8x128xf32, #tpu.memory_space<vmem>> -> memref<4x8x128xf32, #tpu.memory_space<vmem>>
    tpu.wait_dma2 semaphore(%arg14 : memref<!tpu.dma_semaphore, #tpu.memory_space<semaphore_mem>>) src(%dma_wait3A_463 : memref<4x8x128xf32, #tpu.memory_space<vmem>>) dst(%dma_wait3A_458 : memref<4x8x128xf32, #tpu.memory_space<hbm>>)
    %rem3A_464 = arith.constant 24 : i32
    %rem3A_465 = arith.constant 2 : i32
    %rem3A_466 = arith.remsi %rem3A_464, %rem3A_465 : i32
    %dma_wait3A_467 = arith.constant 1 : i32
    %dma_wait3A_468 = arith.constant 1 : i32
    %dma_wait3A_469 = arith.constant 24 : i32
    %dma_wait3A_470 = arith.constant 0 : i32
    %dma_wait3A_471 = arith.constant 0 : i32
    %dma_wait3A_472 = arith.constant 0 : i32
    %dma_wait3A_473 = tpu.memref_slice %arg8[%rem3A_466, %dma_wait3A_467, %dma_wait3A_470, %dma_wait3A_471, %dma_wait3A_472] : memref<2x6x4x8x128xf32, #tpu.memory_space<vmem>> -> memref<1x1x4x8x128xf32, #tpu.memory_space<vmem>>
    %dma_wait3A_474 = tpu.memref_squeeze %dma_wait3A_473 : memref<1x1x4x8x128xf32, #tpu.memory_space<vmem>> -> memref<4x8x128xf32, #tpu.memory_space<vmem>>
    %dma_wait3A_475 = arith.constant 0 : i32
    %dma_wait3A_476 = arith.constant 0 : i32
    %dma_wait3A_477 = tpu.memref_slice %arg6[%dma_wait3A_468, %dma_wait3A_469, %mul3A_2, %dma_wait3A_475, %dma_wait3A_476] : memref<6x25x128x8x128xf32, #tpu.memory_space<hbm>> -> memref<1x1x4x8x128xf32, #tpu.memory_space<hbm>>
    %dma_wait3A_478 = tpu.memref_squeeze %dma_wait3A_477 : memref<1x1x4x8x128xf32, #tpu.memory_space<hbm>> -> memref<4x8x128xf32, #tpu.memory_space<hbm>>
    %dma_wait3A_479 = arith.constant 0 : i32
    %dma_wait3A_480 = arith.constant 0 : i32
    %dma_wait3A_481 = tpu.memref_slice %arg6[%dma_wait3A_468, %dma_wait3A_469, %mul3A_2, %dma_wait3A_479, %dma_wait3A_480] : memref<6x25x128x8x128xf32, #tpu.memory_space<hbm>> -> memref<1x1x4x8x128xf32, #tpu.memory_space<hbm>>
    %dma_wait3A_482 = tpu.memref_squeeze %dma_wait3A_481 : memref<1x1x4x8x128xf32, #tpu.memory_space<hbm>> -> memref<4x8x128xf32, #tpu.memory_space<hbm>>
    %dma_wait3A_483 = arith.constant 0 : i32
    %dma_wait3A_484 = arith.constant 0 : i32
    %dma_wait3A_485 = arith.constant 0 : i32
    %dma_wait3A_486 = tpu.memref_slice %arg8[%rem3A_466, %dma_wait3A_467, %dma_wait3A_483, %dma_wait3A_484, %dma_wait3A_485] : memref<2x6x4x8x128xf32, #tpu.memory_space<vmem>> -> memref<1x1x4x8x128xf32, #tpu.memory_space<vmem>>
    %dma_wait3A_487 = tpu.memref_squeeze %dma_wait3A_486 : memref<1x1x4x8x128xf32, #tpu.memory_space<vmem>> -> memref<4x8x128xf32, #tpu.memory_space<vmem>>
    tpu.wait_dma2 semaphore(%arg14 : memref<!tpu.dma_semaphore, #tpu.memory_space<semaphore_mem>>) src(%dma_wait3A_487 : memref<4x8x128xf32, #tpu.memory_space<vmem>>) dst(%dma_wait3A_482 : memref<4x8x128xf32, #tpu.memory_space<hbm>>)
    %rem3A_488 = arith.constant 24 : i32
    %rem3A_489 = arith.constant 2 : i32
    %rem3A_490 = arith.remsi %rem3A_488, %rem3A_489 : i32
    %dma_wait3A_491 = arith.constant 2 : i32
    %dma_wait3A_492 = arith.constant 2 : i32
    %dma_wait3A_493 = arith.constant 24 : i32
    %dma_wait3A_494 = arith.constant 0 : i32
    %dma_wait3A_495 = arith.constant 0 : i32
    %dma_wait3A_496 = arith.constant 0 : i32
    %dma_wait3A_497 = tpu.memref_slice %arg8[%rem3A_490, %dma_wait3A_491, %dma_wait3A_494, %dma_wait3A_495, %dma_wait3A_496] : memref<2x6x4x8x128xf32, #tpu.memory_space<vmem>> -> memref<1x1x4x8x128xf32, #tpu.memory_space<vmem>>
    %dma_wait3A_498 = tpu.memref_squeeze %dma_wait3A_497 : memref<1x1x4x8x128xf32, #tpu.memory_space<vmem>> -> memref<4x8x128xf32, #tpu.memory_space<vmem>>
    %dma_wait3A_499 = arith.constant 0 : i32
    %dma_wait3A_500 = arith.constant 0 : i32
    %dma_wait3A_501 = tpu.memref_slice %arg6[%dma_wait3A_492, %dma_wait3A_493, %mul3A_2, %dma_wait3A_499, %dma_wait3A_500] : memref<6x25x128x8x128xf32, #tpu.memory_space<hbm>> -> memref<1x1x4x8x128xf32, #tpu.memory_space<hbm>>
    %dma_wait3A_502 = tpu.memref_squeeze %dma_wait3A_501 : memref<1x1x4x8x128xf32, #tpu.memory_space<hbm>> -> memref<4x8x128xf32, #tpu.memory_space<hbm>>
    %dma_wait3A_503 = arith.constant 0 : i32
    %dma_wait3A_504 = arith.constant 0 : i32
    %dma_wait3A_505 = tpu.memref_slice %arg6[%dma_wait3A_492, %dma_wait3A_493, %mul3A_2, %dma_wait3A_503, %dma_wait3A_504] : memref<6x25x128x8x128xf32, #tpu.memory_space<hbm>> -> memref<1x1x4x8x128xf32, #tpu.memory_space<hbm>>
    %dma_wait3A_506 = tpu.memref_squeeze %dma_wait3A_505 : memref<1x1x4x8x128xf32, #tpu.memory_space<hbm>> -> memref<4x8x128xf32, #tpu.memory_space<hbm>>
    %dma_wait3A_507 = arith.constant 0 : i32
    %dma_wait3A_508 = arith.constant 0 : i32
    %dma_wait3A_509 = arith.constant 0 : i32
    %dma_wait3A_510 = tpu.memref_slice %arg8[%rem3A_490, %dma_wait3A_491, %dma_wait3A_507, %dma_wait3A_508, %dma_wait3A_509] : memref<2x6x4x8x128xf32, #tpu.memory_space<vmem>> -> memref<1x1x4x8x128xf32, #tpu.memory_space<vmem>>
    %dma_wait3A_511 = tpu.memref_squeeze %dma_wait3A_510 : memref<1x1x4x8x128xf32, #tpu.memory_space<vmem>> -> memref<4x8x128xf32, #tpu.memory_space<vmem>>
    tpu.wait_dma2 semaphore(%arg14 : memref<!tpu.dma_semaphore, #tpu.memory_space<semaphore_mem>>) src(%dma_wait3A_511 : memref<4x8x128xf32, #tpu.memory_space<vmem>>) dst(%dma_wait3A_506 : memref<4x8x128xf32, #tpu.memory_space<hbm>>)
    %rem3A_512 = arith.constant 24 : i32
    %rem3A_513 = arith.constant 2 : i32
    %rem3A_514 = arith.remsi %rem3A_512, %rem3A_513 : i32
    %dma_wait3A_515 = arith.constant 3 : i32
    %dma_wait3A_516 = arith.constant 3 : i32
    %dma_wait3A_517 = arith.constant 24 : i32
    %dma_wait3A_518 = arith.constant 0 : i32
    %dma_wait3A_519 = arith.constant 0 : i32
    %dma_wait3A_520 = arith.constant 0 : i32
    %dma_wait3A_521 = tpu.memref_slice %arg8[%rem3A_514, %dma_wait3A_515, %dma_wait3A_518, %dma_wait3A_519, %dma_wait3A_520] : memref<2x6x4x8x128xf32, #tpu.memory_space<vmem>> -> memref<1x1x4x8x128xf32, #tpu.memory_space<vmem>>
    %dma_wait3A_522 = tpu.memref_squeeze %dma_wait3A_521 : memref<1x1x4x8x128xf32, #tpu.memory_space<vmem>> -> memref<4x8x128xf32, #tpu.memory_space<vmem>>
    %dma_wait3A_523 = arith.constant 0 : i32
    %dma_wait3A_524 = arith.constant 0 : i32
    %dma_wait3A_525 = tpu.memref_slice %arg6[%dma_wait3A_516, %dma_wait3A_517, %mul3A_2, %dma_wait3A_523, %dma_wait3A_524] : memref<6x25x128x8x128xf32, #tpu.memory_space<hbm>> -> memref<1x1x4x8x128xf32, #tpu.memory_space<hbm>>
    %dma_wait3A_526 = tpu.memref_squeeze %dma_wait3A_525 : memref<1x1x4x8x128xf32, #tpu.memory_space<hbm>> -> memref<4x8x128xf32, #tpu.memory_space<hbm>>
    %dma_wait3A_527 = arith.constant 0 : i32
    %dma_wait3A_528 = arith.constant 0 : i32
    %dma_wait3A_529 = tpu.memref_slice %arg6[%dma_wait3A_516, %dma_wait3A_517, %mul3A_2, %dma_wait3A_527, %dma_wait3A_528] : memref<6x25x128x8x128xf32, #tpu.memory_space<hbm>> -> memref<1x1x4x8x128xf32, #tpu.memory_space<hbm>>
    %dma_wait3A_530 = tpu.memref_squeeze %dma_wait3A_529 : memref<1x1x4x8x128xf32, #tpu.memory_space<hbm>> -> memref<4x8x128xf32, #tpu.memory_space<hbm>>
    %dma_wait3A_531 = arith.constant 0 : i32
    %dma_wait3A_532 = arith.constant 0 : i32
    %dma_wait3A_533 = arith.constant 0 : i32
    %dma_wait3A_534 = tpu.memref_slice %arg8[%rem3A_514, %dma_wait3A_515, %dma_wait3A_531, %dma_wait3A_532, %dma_wait3A_533] : memref<2x6x4x8x128xf32, #tpu.memory_space<vmem>> -> memref<1x1x4x8x128xf32, #tpu.memory_space<vmem>>
    %dma_wait3A_535 = tpu.memref_squeeze %dma_wait3A_534 : memref<1x1x4x8x128xf32, #tpu.memory_space<vmem>> -> memref<4x8x128xf32, #tpu.memory_space<vmem>>
    tpu.wait_dma2 semaphore(%arg14 : memref<!tpu.dma_semaphore, #tpu.memory_space<semaphore_mem>>) src(%dma_wait3A_535 : memref<4x8x128xf32, #tpu.memory_space<vmem>>) dst(%dma_wait3A_530 : memref<4x8x128xf32, #tpu.memory_space<hbm>>)
    %rem3A_536 = arith.constant 24 : i32
    %rem3A_537 = arith.constant 2 : i32
    %rem3A_538 = arith.remsi %rem3A_536, %rem3A_537 : i32
    %dma_wait3A_539 = arith.constant 4 : i32
    %dma_wait3A_540 = arith.constant 4 : i32
    %dma_wait3A_541 = arith.constant 24 : i32
    %dma_wait3A_542 = arith.constant 0 : i32
    %dma_wait3A_543 = arith.constant 0 : i32
    %dma_wait3A_544 = arith.constant 0 : i32
    %dma_wait3A_545 = tpu.memref_slice %arg8[%rem3A_538, %dma_wait3A_539, %dma_wait3A_542, %dma_wait3A_543, %dma_wait3A_544] : memref<2x6x4x8x128xf32, #tpu.memory_space<vmem>> -> memref<1x1x4x8x128xf32, #tpu.memory_space<vmem>>
    %dma_wait3A_546 = tpu.memref_squeeze %dma_wait3A_545 : memref<1x1x4x8x128xf32, #tpu.memory_space<vmem>> -> memref<4x8x128xf32, #tpu.memory_space<vmem>>
    %dma_wait3A_547 = arith.constant 0 : i32
    %dma_wait3A_548 = arith.constant 0 : i32
    %dma_wait3A_549 = tpu.memref_slice %arg6[%dma_wait3A_540, %dma_wait3A_541, %mul3A_2, %dma_wait3A_547, %dma_wait3A_548] : memref<6x25x128x8x128xf32, #tpu.memory_space<hbm>> -> memref<1x1x4x8x128xf32, #tpu.memory_space<hbm>>
    %dma_wait3A_550 = tpu.memref_squeeze %dma_wait3A_549 : memref<1x1x4x8x128xf32, #tpu.memory_space<hbm>> -> memref<4x8x128xf32, #tpu.memory_space<hbm>>
    %dma_wait3A_551 = arith.constant 0 : i32
    %dma_wait3A_552 = arith.constant 0 : i32
    %dma_wait3A_553 = tpu.memref_slice %arg6[%dma_wait3A_540, %dma_wait3A_541, %mul3A_2, %dma_wait3A_551, %dma_wait3A_552] : memref<6x25x128x8x128xf32, #tpu.memory_space<hbm>> -> memref<1x1x4x8x128xf32, #tpu.memory_space<hbm>>
    %dma_wait3A_554 = tpu.memref_squeeze %dma_wait3A_553 : memref<1x1x4x8x128xf32, #tpu.memory_space<hbm>> -> memref<4x8x128xf32, #tpu.memory_space<hbm>>
    %dma_wait3A_555 = arith.constant 0 : i32
    %dma_wait3A_556 = arith.constant 0 : i32
    %dma_wait3A_557 = arith.constant 0 : i32
    %dma_wait3A_558 = tpu.memref_slice %arg8[%rem3A_538, %dma_wait3A_539, %dma_wait3A_555, %dma_wait3A_556, %dma_wait3A_557] : memref<2x6x4x8x128xf32, #tpu.memory_space<vmem>> -> memref<1x1x4x8x128xf32, #tpu.memory_space<vmem>>
    %dma_wait3A_559 = tpu.memref_squeeze %dma_wait3A_558 : memref<1x1x4x8x128xf32, #tpu.memory_space<vmem>> -> memref<4x8x128xf32, #tpu.memory_space<vmem>>
    tpu.wait_dma2 semaphore(%arg14 : memref<!tpu.dma_semaphore, #tpu.memory_space<semaphore_mem>>) src(%dma_wait3A_559 : memref<4x8x128xf32, #tpu.memory_space<vmem>>) dst(%dma_wait3A_554 : memref<4x8x128xf32, #tpu.memory_space<hbm>>)
    %rem3A_560 = arith.constant 24 : i32
    %rem3A_561 = arith.constant 2 : i32
    %rem3A_562 = arith.remsi %rem3A_560, %rem3A_561 : i32
    %dma_wait3A_563 = arith.constant 5 : i32
    %dma_wait3A_564 = arith.constant 5 : i32
    %dma_wait3A_565 = arith.constant 24 : i32
    %dma_wait3A_566 = arith.constant 0 : i32
    %dma_wait3A_567 = arith.constant 0 : i32
    %dma_wait3A_568 = arith.constant 0 : i32
    %dma_wait3A_569 = tpu.memref_slice %arg8[%rem3A_562, %dma_wait3A_563, %dma_wait3A_566, %dma_wait3A_567, %dma_wait3A_568] : memref<2x6x4x8x128xf32, #tpu.memory_space<vmem>> -> memref<1x1x4x8x128xf32, #tpu.memory_space<vmem>>
    %dma_wait3A_570 = tpu.memref_squeeze %dma_wait3A_569 : memref<1x1x4x8x128xf32, #tpu.memory_space<vmem>> -> memref<4x8x128xf32, #tpu.memory_space<vmem>>
    %dma_wait3A_571 = arith.constant 0 : i32
    %dma_wait3A_572 = arith.constant 0 : i32
    %dma_wait3A_573 = tpu.memref_slice %arg6[%dma_wait3A_564, %dma_wait3A_565, %mul3A_2, %dma_wait3A_571, %dma_wait3A_572] : memref<6x25x128x8x128xf32, #tpu.memory_space<hbm>> -> memref<1x1x4x8x128xf32, #tpu.memory_space<hbm>>
    %dma_wait3A_574 = tpu.memref_squeeze %dma_wait3A_573 : memref<1x1x4x8x128xf32, #tpu.memory_space<hbm>> -> memref<4x8x128xf32, #tpu.memory_space<hbm>>
    %dma_wait3A_575 = arith.constant 0 : i32
    %dma_wait3A_576 = arith.constant 0 : i32
    %dma_wait3A_577 = tpu.memref_slice %arg6[%dma_wait3A_564, %dma_wait3A_565, %mul3A_2, %dma_wait3A_575, %dma_wait3A_576] : memref<6x25x128x8x128xf32, #tpu.memory_space<hbm>> -> memref<1x1x4x8x128xf32, #tpu.memory_space<hbm>>
    %dma_wait3A_578 = tpu.memref_squeeze %dma_wait3A_577 : memref<1x1x4x8x128xf32, #tpu.memory_space<hbm>> -> memref<4x8x128xf32, #tpu.memory_space<hbm>>
    %dma_wait3A_579 = arith.constant 0 : i32
    %dma_wait3A_580 = arith.constant 0 : i32
    %dma_wait3A_581 = arith.constant 0 : i32
    %dma_wait3A_582 = tpu.memref_slice %arg8[%rem3A_562, %dma_wait3A_563, %dma_wait3A_579, %dma_wait3A_580, %dma_wait3A_581] : memref<2x6x4x8x128xf32, #tpu.memory_space<vmem>> -> memref<1x1x4x8x128xf32, #tpu.memory_space<vmem>>
    %dma_wait3A_583 = tpu.memref_squeeze %dma_wait3A_582 : memref<1x1x4x8x128xf32, #tpu.memory_space<vmem>> -> memref<4x8x128xf32, #tpu.memory_space<vmem>>
    tpu.wait_dma2 semaphore(%arg14 : memref<!tpu.dma_semaphore, #tpu.memory_space<semaphore_mem>>) src(%dma_wait3A_583 : memref<4x8x128xf32, #tpu.memory_space<vmem>>) dst(%dma_wait3A_578 : memref<4x8x128xf32, #tpu.memory_space<hbm>>)
    return
  }
}

</mosaic_0001>

<sc_bundles>
// kernel: kernel.3.cloned.1.call-start
scs
__scs_entry_jumppad:
0x0: {  	(pc) =	sbr.rel $0x88, $3  }
0x1: {  	(tag) =	ssettag $0x0;
	lr =	simm.s32 $0x1  }
0x2: {  	[smem:$0x3F9D] =	sst lr;
	_ =	strace $0xD0000000  }
0x3: {  	_ = 	snop  }
0x4: {  	_ = 	snop  }
0x5: {  	_ = 	snop  }
0x6: {  	_ = 	snop  }
0x7: {  	_ = 	snop  }
__scs_overlays_trampoline_lowered:
0x8: {  	[smem:$0x3FAC] =	sst s0  }
0x9: {  	[smem:$0x3FAD] =	sst s1  }
0xa: {  	[smem:$0x3FAE] =	sst s2  }
0xb: {  	[smem:$0x3FAF] =	sst s3  }
0xc: {  	[smem:$0x3FB0] =	sst s4  }
0xd: {  	[smem:$0x3FB1] =	sst s5  }
0xe: {  	[smem:$0x3FB2] =	sst s6  }
0xf: {  	[smem:$0x3FB3] =	sst s7  }
0x10: {  	[smem:$0x3FB4] =	sst s8  }
0x11: {  	[smem:$0x3FB5] =	sst s9;
	s0 =	simm.s32 @!p0 $0x0  }
0x12: {  	s1 =	sld [smem:$0x3F9B];
	s0 =	simm.s32 @p0 $0x1  }
0x13: {  	[smem:$0x3FB6] =	sst s0;
	s0 =	simm.s32 @!p1 $0x0  }
0x14: {  	s2 =	sld [smem:$0x3F9A];
	s0 =	simm.s32 @p1 $0x1  }
0x15: {  	[smem:$0x3FB7] =	sst s0;
	s0 =	simm.s32 @!p2 $0x0  }
0x16: {  	s3 =	sld [smem:$0x3FDB];
	s0 =	simm.s32 @p2 $0x1  }
0x17: {  	s4 =	simm.s32 $0x1BF5;
	[smem:$0x3FB9] =	sst s0  }
0x18: {  	s0 =	sld [smem:$0x3F9C];
	_ =	swait.ge [sflag:s4], $0x0  }
0x19: {  	s7 =	sld [smem:$0x3F9D]  }
0x1a: {  	s8 =	sadd.s32 $0xFFFFE003, lr  }
0x1b: {  	s9 =	sadd.s32 $0xFFFFFEF7, lr;
	s5 =	simm.s32 $0xFFFFFFFF;
	p2 =	slt.u32 s8, $0xFFFFF086  }
0x1c: {  	p1 =	slt.u32 s9, $0xF7A;
	s5 =	simm.s32 @!p2 $0x0  }
0x1d: {  	s5 =	simm.s32 @p1 $0x1;
	p0 =	seq.s32 s7, s2  }
0x1e: {  	s7 =	smul.u32 @!p0 $0xF7A, s2;
	p2 =	seq.s32 @!p0 s5, $0x0  }
0x1f: {  	s9 =	smul.u32 $0xF7A, s1;
	s8 =	simm.s32 @!p0 $0x1BF5;
	p2 =	por !p2, p0  }
0x20: {  	[sflag:s8] =	ssyncset.s32 @!p0 $0xFFFFF086;
	s6 =	sadd.s32 @!p0 s3, s7;
	s7 =	simm.s32 @!p0 $0x108  }
0x21: {  	s3 =	sadd.s32 s3, s9;
	s6 =	sadd.s32 @!p0 $0x88, s6;
	s7 =	simm.s32 @p2 $0x1082  }
0x22: {  	[simem:s7], [sflag:s8] =	dma.local @!p0 [hbm:s6], $0xF7A  }
0x23: {  	s9 =	sor.u32 $0xD0000000, s2;
	s6 =	simm.s32 $0x108;
	_ =	swait.ge @!p0 [sflag:s8], $0x0  }
0x24: {  	s3 =	sadd.s32 $0x88, s3;
	s6 =	simm.s32 @!p1 $0x1082;
	[sflag:s4] =	ssyncset.s32 $0xFFFFF086  }
0x25: {  	[simem:s6], [sflag:s4] =	dma.local [hbm:s3], $0xF7A  }
0x26: {  	[smem:$0x3F9D] =	sst s1;
	(tag) =	ssettag s2;
	_ =	strace s9  }
0x27: {  	s1 =	sld [smem:$0x3FAD]  }
0x28: {  	s2 =	sld [smem:$0x3FAE]  }
0x29: {  	s4 =	sld [smem:$0x3FB0]  }
0x2a: {  	p0 =	seq.s32 s5, $0x0;
	s5 =	sld [smem:$0x3FB1]  }
0x2b: {  	s6 =	sld [smem:$0x3FB2]  }
0x2c: {  	s7 =	sld [smem:$0x3FB3]  }
0x2d: {  	s3 =	simm.s32 $0x108;
	s8 =	sld [smem:$0x3FB4]  }
0x2e: {  	s3 =	simm.s32 @!p0 $0x1082;
	s9 =	sld [smem:$0x3FB5]  }
0x2f: {  	lr =	sadd.s32 s0, s3;
	s0 =	sld [smem:$0x3FAC]  }
0x30: {  	s3 =	sld [smem:$0x3FAF]  }
0x31: {  	[smem:$0x3FB8] =	sst s10  }
0x32: {  	s10 =	sld [smem:$0x3FB6];
	_ =	sdelay $0x3  }
0x33: {  	p0 =	seq.s32 s10, $0x1;
	s10 =	sld [smem:$0x3FB8];
	_ =	sdelay $0x3  }
0x34: {  	[smem:$0x3FB8] =	sst s10  }
0x35: {  	s10 =	sld [smem:$0x3FB7];
	_ =	sdelay $0x3  }
0x36: {  	p1 =	seq.s32 s10, $0x1;
	s10 =	sld [smem:$0x3FB8];
	_ =	sdelay $0x3  }
0x37: {  	[smem:$0x3FB8] =	sst s10  }
0x38: {  	s10 =	sld [smem:$0x3FB9]  }
0x39: {  	_ = 	snop;
	(pc) =	sbr.ind lr, $3  }
0x3a: {  	_ = 	snop  }
0x3b: {  	_ = 	snop  }
0x3c: {  	p2 =	seq.s32 s10, $0x1;
	s10 =	sld [smem:$0x3FB8]  }
0x3d: {  	_ =	shalt  }
0x3e: {  	_ =	shalt  }
0x3f: {  	_ =	shalt  }
0x40: {  	_ =	shalt  }
0x41: {  	_ =	shalt  }
0x42: {  	_ =	shalt  }
0x43: {  	_ =	shalt  }
0x44: {  	_ =	shalt  }
0x45: {  	_ =	shalt  }
0x46: {  	_ =	shalt  }
0x47: {  	_ =	shalt  }
0x48: {  	_ =	shalt  }
0x49: {  	_ =	shalt  }
0x4a: {  	_ =	shalt  }
0x4b: {  	_ =	shalt  }
0x4c: {  	_ =	shalt  }
0x4d: {  	_ =	shalt  }
0x4e: {  	_ =	shalt  }
0x4f: {  	_ =	shalt  }
0x50: {  	_ =	shalt  }
0x51: {  	_ =	shalt  }
0x52: {  	_ =	shalt  }
0x53: {  	_ =	shalt  }
0x54: {  	_ =	shalt  }
0x55: {  	_ =	shalt  }
0x56: {  	_ =	shalt  }
0x57: {  	_ =	shalt  }
0x58: {  	_ =	shalt  }
0x59: {  	_ =	shalt  }
0x5a: {  	_ =	shalt  }
0x5b: {  	_ =	shalt  }
0x5c: {  	_ =	shalt  }
0x5d: {  	_ =	shalt  }
0x5e: {  	_ =	shalt  }
0x5f: {  	_ =	shalt  }
0x60: {  	_ =	shalt  }
0x61: {  	_ =	shalt  }
0x62: {  	_ =	shalt  }
0x63: {  	_ =	shalt  }
0x64: {  	_ =	shalt  }
0x65: {  	_ =	shalt  }
0x66: {  	_ =	shalt  }
0x67: {  	_ =	shalt  }
0x68: {  	_ =	shalt  }
0x69: {  	_ =	shalt  }
0x6a: {  	_ =	shalt  }
0x6b: {  	_ =	shalt  }
0x6c: {  	_ =	shalt  }
0x6d: {  	_ =	shalt  }
0x6e: {  	_ =	shalt  }
0x6f: {  	_ =	shalt  }
0x70: {  	_ =	shalt  }
0x71: {  	_ =	shalt  }
0x72: {  	_ =	shalt  }
0x73: {  	_ =	shalt  }
0x74: {  	_ =	shalt  }
0x75: {  	_ =	shalt  }
0x76: {  	_ =	shalt  }
0x77: {  	_ =	shalt  }
0x78: {  	_ =	shalt  }
0x79: {  	_ =	shalt  }
0x7a: {  	_ =	shalt  }
0x7b: {  	_ =	shalt  }
0x7c: {  	_ =	shalt  }
0x7d: {  	_ =	shalt  }
0x7e: {  	_ =	shalt  }
0x7f: {  	_ =	shalt  }
0x80: {  	_ =	shalt  }
0x81: {  	_ =	shalt  }
0x82: {  	_ =	shalt  }
0x83: {  	_ =	shalt  }
0x84: {  	_ =	shalt  }
0x85: {  	_ =	shalt  }
0x86: {  	_ =	shalt  }
0x87: {  	_ =	shalt  }
.Lfunc_end0:
.L_simem_size_0:
called_computation_lowered:
.L_overlay_start_0:
0x88: {  	s2 =	sld [smem:$0x3FD9]  }
0x89: {  	s3 =	sld [smem:$0x3FFE];
	_ =	sdelay $0x1  }
0x8a: {  	s1 =	srdreg.scid  }
0x8b: {  	s0 =	sand.u32 $0x1, s1  }
0x8c: {  	s17 =	sshll.u32 s0, $0xA;
	s2 =	sadd.s32 s3, s2  }
0x8d: {  	s2 =	sadd.s32 s2, s17  }
0x8e: {  	[smem:$0x3FC4] =	sst s2  }
0x8f: {  	_ = 	snop  }
0x90: {  	s2 =	sld [smem:$0x3FC9]  }
0x91: {  	s18 =	sld [smem:$0x3FC7]  }
0x92: {  	s4 =	sld [smem:$0x3FC6]  }
0x93: {  	s5 =	sld [smem:$0x3FD0];
	(tm) =	ssettm $0x1  }
0x94: {  	s6 =	sld [smem:$0x3FFB];
	_ =	sdelay $0x3  }
0x95: {  	_ =	strace s6  }
0x96: {  	s6 =	sld [smem:$0x3FFC];
	_ =	sdelay $0x3  }
0x97: {  	_ =	strace s6  }
0x98: {  	s6 =	sld [smem:$0x3FFD];
	_ =	sdelay $0x3  }
0x99: {  	_ =	strace s6  }
0x9a: {  	_ =	strace $0x8FFFFFFF  }
0x9b: {  	s19 =	sld [smem:$0x3FDB];
	_ =	sdelay $0x1  }
0x9c: {  	s7 =	simm.s32 $_scs_section_size  }
0x9d: {  	s8 =	simm.s32 $_size__tile_overlayer_lowered;
	s9 =	simm.s32 $_tile_overlayer_lowered  }
0x9e: {  	s22 =	simm.s32 $0x1BFF;
	s21 =	sshll.u32 s9, $0x1;
	s6 =	sadd.s32 s7, s19  }
0x9f: {  	s10 =	simm.s32 $0x0;
	s20 =	sshll.u32 s8, $0x1;
	s8 =	sadd.s32 s21, s6  }
0xa0: {  	[timem:s10], [sflag:s22] =	dma.local [hbm:s8], s20  }
0xa1: {  	_ =	swait.ge [sflag:s22], s20  }
0xa2: {  	s7 =	ssub.s32 $0x0, s20;
	[sflag:s22] =	ssyncset.done $0x0  }
0xa3: {  	[sflag:s22] =	ssyncadd.s32 s7;
	_ =	sdelay $0x1  }
0xa4: {  	s23 =	simm.s32 $0x1B8B  }
0xa5: {  	_ =	swait.ge [sflag:s23], $0x1  }
0xa6: {  	[sflag:s23] =	ssyncset.done $0x0  }
0xa7: {  	s25 =	simm.s32 $0x1B8E;
	s24 =	sld [smem:$0x3FFE];
	[sflag:s23] =	ssyncadd.s32 $0xFFFFFFFF  }
0xa8: {  	s26 =	simm.s32 $execute0_lowered;
	[smem:$0x3FD2] =	sst s25  }
0xa9: {  	s8 =	sshll.u32 s26, $0x1;
	_ =	strace $0x80000046;
	[dreg:$0x1] =	wrdreg $0xFFFFFFFF  }
0xaa: {  	s28 =	simm.s32 $_size_execute0_lowered;
	s6 =	sadd.s32 s6, s8;
	[dreg:$0x0] =	wrdreg $0x0  }
0xab: {  	s8 =	sshll.u32 s28, $0x1;
	[dreg:$0x2] =	wrdreg s6  }
0xac: {  	[dreg:$0x3] =	wrdreg s8  }
0xad: {  	[dreg:$0x4] =	wrdreg $0xC0  }
0xae: {  	_ =	task [dreg:s10], $0x5FFFF  }
0xaf: {  	[dreg:$0x1] =	wrdreg $0xFFFFFFFF  }
0xb0: {  	[dreg:$0x0] =	wrdreg $0x60  }
0xb1: {  	[dreg:$0x2] =	wrdreg s2  }
0xb2: {  	[dreg:$0x3] =	wrdreg s24  }
0xb3: {  	[dreg:$0x4] =	wrdreg s18  }
0xb4: {  	[dreg:$0x5] =	wrdreg s4  }
0xb5: {  	[dreg:$0x6] =	wrdreg s5  }
0xb6: {  	[dreg:$0x7] =	wrdreg $0x9  }
0xb7: {  	_ =	task.clear_ibuf [dreg:s10], $0x8FFFF;
	_ =	strace $0x90000046  }
0xb8: {  	s29 =	simm.s32 $0x9;
	_ =	strace $0x80000048  }
0xb9: {  	_ =	swait.ge [sflag:s29], $0x1  }
0xba: {  	[sflag:s29] =	ssyncadd.s32 $0xFFFFFFFF  }
0xbb: {  	_ =	strace $0x90000048  }
0xbc: {  	_ =	sfence  }
0xbd: {  	s30 =	sld [smem:$0x0];
	_ =	sdelay $0x2  }
0xbe: {  	s31 =	sshll.u32 s1, $0xD;
	s1 =	sshrl.u32 s1, $0x2  }
0xbf: {  	s3 =	sand.u32 $0x4000, s31;
	s1 =	sadd.s32 s1, s30  }
0xc0: {  	s0 =	sor.u32 s3, s0;
	s1 =	sshll.u32 s1, $0x11  }
0xc1: {  	s0 =	sor.u32 s1, s0  }
0xc2: {  	s0 =	sadd.s32 $0x8F2B, s0  }
0xc3: {  	[sflag:s0] =	ssyncadd.remote.s32 $0x1  }
0xc4: {  	_ =	sfence.sel $0xFFFF  }
0xc5: {  	[dreg:$0x0] =	wrdreg $0xFFFFFFFF;
	(pc) =	sbr.abs _section_cstart, $3  }
0xc6: {  	[dreg:$0x1] =	wrdreg $0xFFFFFFFF  }
0xc7: {  	_ =	task.clear_ibuf [dreg:s10], $0x2FFFF;
	_ =	strace $0x9FFFFFFF  }
0xc8: {  	(tm) =	ssettm $0x7FFFFFFF  }
0xc9: {  	_ =	shalt  }
tec
execute0_lowered:
.L_overlay_start_1:
0x0: {  	(tag) =	ssettag $0x1  }
0x1: {  	v0 =	vimm.s32 $0x83828180;
	v1 =	vimm.s32 $0x81808584  }
0x2: {  	vm3 =	vcmask $0x1F10;
	v2 =	vimm.s32 $0x85848382;
	vm4 =	vcmask $0x300  }
0x3: {  	v17 =	vimm.s32 $0x103;
	vm2 =	vcmask $0x704;
	vm1 =	vcmask $0xB08  }
0x4: {  	vm0 =	vcmask $0x1310;
	vm5 =	vcmask $0x700;
	vm6 =	vcmask $0x1F08  }
0x5: {  	vm10 =	vcmask $0x1714;
	vm11 =	vcmask $0x3720;
	v5 =	vimm.s32 $0x380  }
0x6: {  	vm12 =	vcmask $0xF00;
	v6 =	vimm.s32 $0x382;
	v7 =	vimm.s32 $0x383  }
0x7: {  	vm13 =	vcmask $0x2710;
	vm14 =	vcmask $0x1B18;
	v9 =	vimm.s32 $0x183  }
0x8: {  	v18 =	vimm.s32 $0x101;
	v11 =	vimm.s32 $0x181;
	v12 =	vimm.s32 $0x105  }
0x9: {  	v13 =	vimm.s32 $0x185;
	vm15 =	vcmask $0x1F1C;
	vm8 =	vcmask $0x2320  }
0xa: {  	vm9 =	vcmask $0x2B28;
	v19 =	vimm.s32 $0x10543210;
	v20 =	vimm.s32 $0x32105432  }
0xb: {  	v21 =	vimm.s32 $0x100;
	v25 =	vimm.s32 $0x502;
	v26 =	vimm.s32 $0x503  }
0xc: {  	v0 =	vunpack.c.0.s8.s32 v0;
	v1 =	vunpack.c.0.s8.s32 v1;
	v2 =	vunpack.c.0.s8.s32 v2  }
0xd: {  	v3 =	vsel vm4, $0x100, v17;
	v6 =	vsel vm12, $0x282, v6;
	v7 =	vsel vm12, $0x283, v7  }
0xe: {  	v9 =	vsel vm4, $0x180, v9;
	v10 =	vsel vm4, $0x104, v18;
	v11 =	vsel vm4, $0x184, v11  }
0xf: {  	v12 =	vsel vm4, $0x102, v12;
	v13 =	vsel vm4, $0x182, v13;
	v19 =	vunpack.c.l.s4.s8 v19  }
0x10: {  	v20 =	vunpack.c.l.s4.s8 v20;
	v3 =	vsel vm2, $0x101, v3;
	v6 =	vsel vm13, $0x302, v6  }
0x11: {  	v7 =	vsel vm13, $0x303, v7;
	v9 =	vsel vm2, $0x181, v9;
	v10 =	vsel vm2, $0x105, v10  }
0x12: {  	v11 =	vsel vm2, $0x185, v11;
	v12 =	vsel vm2, $0x103, v12;
	v13 =	vsel vm2, $0x183, v13  }
0x13: {  	v14 =	vsel vm3, v1, v0;
	v15 =	vsel vm3, v0, v2;
	v0 =	vsel vm1, $0x102, v3  }
0x14: {  	v16 =	vsel vm3, v2, v1;
	v1 =	vimm.s32 $0x281;
	v2 =	vimm.s32 $0x282  }
0x15: {  	v3 =	vimm.s32 $0x283;
	v9 =	vsel vm1, $0x182, v9;
	v10 =	vsel vm1, $0x100, v10  }
0x16: {  	v11 =	vsel vm1, $0x180, v11;
	v12 =	vsel vm1, $0x104, v12;
	v13 =	vsel vm1, $0x184, v13  }
0x17: {  	v23 =	vunpack.c.0.s8.s32 v19;
	v24 =	vunpack.c.0.s8.s32 v20;
	v20 =	vimm.s32 $0x102  }
0x18: {  	v4 =	vsel vm0, $0x104, v0;
	v0 =	vimm.s32 $0x280;
	v1 =	vsel vm5, $0x101, v1  }
0x19: {  	v2 =	vsel vm5, $0x102, v2;
	v3 =	vsel vm5, $0x103, v3;
	v9 =	vsel vm0, $0x184, v9  }
0x1a: {  	v10 =	vsel vm0, $0x102, v10;
	v11 =	vsel vm0, $0x182, v11;
	v12 =	vsel vm0, $0x100, v12  }
0x1b: {  	v13 =	vsel vm0, $0x180, v13;
	v28 =	vcombine.low v14, v15;
	v30 =	vcombine.low v16, v14  }
0x1c: {  	v31 =	vcombine.low v15, v16;
	v0 =	vsel vm5, $0x100, v0;
	v1 =	vsel vm6, $0x181, v1  }
0x1d: {  	v2 =	vsel vm6, $0x182, v2;
	v3 =	vsel vm6, $0x183, v3;
	v8 =	vsel vm10, $0x105, v4  }
0x1e: {  	v4 =	vsel vm12, $0x280, v5;
	v5 =	vimm.s32 $0x381;
	v9 =	vsel vm10, $0x185, v9  }
0x1f: {  	v10 =	vsel vm10, $0x103, v10;
	v11 =	vsel vm10, $0x183, v11;
	v12 =	vsel vm10, $0x101, v12  }
0x20: {  	v13 =	vsel vm10, $0x181, v13;
	vm10 =	vcmask $0x2F2C;
	v14 =	vcombine.low v23, v24  }
0x21: {  	v0 =	vsel vm6, $0x180, v0;
	v3 =	vsel vm11, $0x203, v3;
	v5 =	vsel vm12, $0x281, v5  }
0x22: {  	v4 =	vsel vm13, $0x300, v4;
	v8 =	vsel vm14, $0x100, v8;
	v9 =	vsel vm14, $0x180, v9  }
0x23: {  	v10 =	vsel vm14, $0x104, v10;
	v11 =	vsel vm14, $0x184, v11;
	v12 =	vsel vm14, $0x102, v12  }
0x24: {  	v13 =	vsel vm14, $0x182, v13;
	vm12 =	vcmask $0x3734;
	vm14 =	vcmask $0x1700  }
0x25: {  	v0 =	vsel vm11, $0x200, v0;
	v5 =	vsel vm13, $0x301, v5;
	v8 =	vsel vm15, $0x101, v8  }
0x26: {  	v9 =	vsel vm15, $0x181, v9;
	v10 =	vsel vm15, $0x105, v10;
	v11 =	vsel vm15, $0x185, v11  }
0x27: {  	v12 =	vsel vm15, $0x103, v12;
	v13 =	vsel vm15, $0x183, v13;
	vm13 =	vcmask $0x3B38  }
0x28: {  	v19 =	vsel vm14, $0x0, v21;
	v18 =	vsel vm14, $0x1, v18;
	v21 =	vimm.s32 $0x500  }
0x29: {  	v20 =	vsel vm14, $0x2, v20;
	v22 =	vsel vm14, $0x3, v17;
	v17 =	vimm.s32 $0x501  }
0x2a: {  	v25 =	vsel vm14, $0x402, v25;
	v26 =	vsel vm14, $0x403, v26;
	vm15 =	vcmask $0x2F18  }
0x2b: {  	[tilespmem:$0x1FFD0] =	vst v0;
	v0 =	vsel vm11, $0x201, v1;
	v8 =	vsel vm8, $0x102, v8;
	v9 =	vsel vm8, $0x182, v9  }
0x2c: {  	v10 =	vsel vm8, $0x100, v10;
	v11 =	vsel vm8, $0x180, v11;
	v12 =	vsel vm8, $0x104, v12  }
0x2d: {  	v13 =	vsel vm8, $0x184, v13;
	v21 =	vsel vm14, $0x400, v21;
	v27 =	vsel vm14, $0x401, v17  }
0x2e: {  	v17 =	vimm.s32 $0x54321054;
	v15 =	vsel vm15, $0x80, v19;
	v16 =	vsel vm15, $0x81, v18  }
0x2f: {  	v18 =	vsel vm15, $0x83, v22;
	v22 =	vsel vm15, $0x483, v26;
	v26 =	vand.u32 $0xFF, v30  }
0x30: {  	[tilespmem:$0x1FFE0] =	vst v0;
	v0 =	vsel vm11, $0x202, v2;
	v8 =	vsel vm9, $0x104, v8;
	v9 =	vsel vm9, $0x184, v9  }
0x31: {  	v10 =	vsel vm9, $0x102, v10;
	v11 =	vsel vm9, $0x182, v11;
	v12 =	vsel vm9, $0x100, v12  }
0x32: {  	v13 =	vsel vm9, $0x180, v13;
	vm11 =	vcmask $0x3330;
	v29 =	vunpack.c.l.s4.s8 v17  }
0x33: {  	v17 =	vsel vm15, $0x82, v20;
	v19 =	vsel vm15, $0x480, v21;
	v20 =	vsel vm15, $0x481, v27  }
0x34: {  	s5 =	rddreg [dreg:$0x0];
	v21 =	vsel vm15, $0x482, v25;
	v25 =	vand.u32 $0xFF, v28;
	v27 =	vand.u32 $0xFF, v31  }
0x35: {  	s0 =	rddreg [dreg:$0x1];
	s1 =	srdreg.scid;
	v8 =	vsel vm10, $0x105, v8;
	v9 =	vsel vm10, $0x185, v9;
	v10 =	vsel vm10, $0x103, v10  }
0x36: {  	s2 =	simm.s32 $0x0;
	s3 =	stileid.u32;
	s1 =	sand.u32 $0x1, s1;
	v11 =	vsel vm10, $0x183, v11;
	v12 =	vsel vm10, $0x101, v12;
	v13 =	vsel vm10, $0x181, v13  }
0x37: {  	s3 =	sshll.u32 s3, $0xD;
	s30 =	ssub.s32 $0x2, s1;
	s1 =	sshll.u32 s1, $0xC;
	v8 =	vsel vm11, $0x100, v8;
	v9 =	vsel vm11, $0x180, v9;
	v10 =	vsel vm11, $0x104, v10  }
0x38: {  	[smem:$0x7FF] =	sst s2;
	s3 =	sor.u32 s1, s3;
	v11 =	vsel vm11, $0x184, v11;
	v12 =	vsel vm11, $0x102, v12;
	v13 =	vsel vm11, $0x182, v13  }
0x39: {  	s0 =	sadd.s32 $0x400, s0;
	s4 =	sshrl.u32 s30, $0x1;
	s1 =	sshrl.u32 s3, $0x3;
	[tilespmem:$0x1FFF0] =	vst v0;
	v29 =	vunpack.c.0.s8.s32 v29;
	v8 =	vsel vm12, $0x101, v8;
	v9 =	vsel vm12, $0x181, v9  }
0x3a: {  	s1 =	sadd.s32 s5, s1;
	_ =	strace $0x80000047;
	[dreg:$0xe] =	wrdreg s0;
	v10 =	vsel vm12, $0x105, v10;
	v11 =	vsel vm12, $0x185, v11;
	v12 =	vsel vm12, $0x103, v12  }
0x3b: {  	s31 =	ssub.s32 s30, s4;
	[dreg:$0xf] =	wrdreg s1;
	v13 =	vsel vm12, $0x183, v13;
	v8 =	vsel vm13, $0x102, v8;
	v9 =	vsel vm13, $0x182, v9  }
0x3c: {  	s0 =	smax.u32 s31, $0x1;
	[dreg:$0xd] =	wrdreg s3;
	v10 =	vsel vm13, $0x100, v10;
	v11 =	vsel vm13, $0x180, v11;
	v12 =	vsel vm13, $0x104, v12  }
0x3d: {  	s16 =	simm.s32 $0xE000;
	s2 =	simm.s32 $0x0;
	[dreg:$0x10] =	wrdreg s0;
	v13 =	vsel vm13, $0x184, v13;
	v23 =	vcombine.low v29, v23;
	v24 =	vcombine.low v24, v29  }
.LBB2_1:
0x3e: {  	[dreg:$0x11] =	wrdreg s2  }
0x3f: {  	s1 =	simm.s32 $0x0;
	s0 =	rddreg [dreg:$0xf]  }
0x40: {  	[tilespmem:s1], [sflag:$0x1] =	stream.linear.gather [hbm4b:s0+s1], $0x1000, $0x38;
	[tilespmem:$0xEB00] =	vst v63  }
0x41: {  	s28 =	rddreg [dreg:$0xe];
	s29 =	simm.s32 $0xE080  }
0x42: {  	[tilespmem:s29], [sflag:$0x2] =	stream.linear.gather [hbm4b:s28+s1], $0x500, $0x38;
	[tilespmem:$0xEB00] =	vst v63  }
0x43: {  	s30 =	rddreg [dreg:$0x2];
	s4 =	simm.s32 $0xE880  }
0x44: {  	[tilespmem:s4], [sflag:$0x2] =	stream.linear.gather [hbm4b:s30+s1], $0x200, $0x38;
	[tilespmem:$0xEB00] =	vst v63  }
0x45: {  	s6 =	simm.s32 $0x2;
	s31 =	rddreg [dreg:$0x3];
	s5 =	simm.s32 $0xEA80  }
0x46: {  	[tilespmem:s5], [sflag:$0x2] =	stream.linear.gather [hbm4b:s31+s1], $0x6, $0x38;
	[tilespmem:$0xEB00] =	vst v63  }
0x47: {  	_ =	swait.ge [sflag:s6], $0x500  }
0x48: {  	[sflag:s6] =	ssyncset.done $0x0  }
0x49: {  	[sflag:s6] =	ssyncadd.s32 $0xFFFFFB00  }
0x4a: {  	_ =	swait.ge [sflag:s6], $0x200  }
0x4b: {  	[sflag:s6] =	ssyncset.done $0x0  }
0x4c: {  	[sflag:s6] =	ssyncadd.s32 $0xFFFFFE00  }
0x4d: {  	_ =	swait.ge [sflag:s6], $0x6  }
0x4e: {  	[sflag:s6] =	ssyncset.done $0x0  }
0x4f: {  	[sflag:s6] =	ssyncadd.s32 $0xFFFFFFFA  }
0x50: {  	v28 =	vld.idx.msk [tilespmem:v14+s5+$0x0], $0xffff  }
0x51: {  	v29 =	vld.idx.msk [tilespmem:v15+s29+$0x0], $0xffff  }
0x52: {  	v30 =	vld.idx.msk [tilespmem:v14+s4+$0x0], $0xffff  }
0x53: {  	v31 =	vld.idx.msk [tilespmem:v16+s29+$0x0], $0xffff  }
0x54: {  	v32 =	vld.idx.msk [tilespmem:v25+s4+$0x0], $0xffff  }
0x55: {  	v33 =	vld.idx.msk [tilespmem:v17+s29+$0x0], $0xffff  }
0x56: {  	v34 =	vld.idx.msk [tilespmem:v8+s4+$0x0], $0xffff  }
0x57: {  	v42 =	vld.idx.msk [tilespmem:v18+s29+$0x0], $0xffff;
	v29 =	vmul.f32 v30, v29  }
0x58: {  	v35 =	vld.idx.msk [tilespmem:v9+s4+$0x0], $0xffff  }
0x59: {  	v28 =	vadd.f32 v29, v28;
	v29 =	vmul.f32 v32, v31  }
0x5a: {  	v0 =	vld [tilespmem:$0x1FFD0]  }
0x5b: {  	v28 =	vadd.f32 v29, v28;
	v29 =	vmul.f32 v34, v33;
	_ =	sdelay $0x1  }
0x5c: {  	v28 =	vadd.f32 v29, v28;
	v29 =	vmul.f32 v35, v42;
	_ =	sdelay $0x1  }
0x5d: {  	v28 =	vadd.f32 v29, v28;
	_ =	sdelay $0x1  }
0x5e: {  	[tilespmem:$0xE000] =	vst v28  }
0x5f: {  	v29 =	vld.idx.msk [tilespmem:v0+s29+$0x0], $0xffff  }
0x60: {  	v0 =	vld [tilespmem:$0x1FFE0];
	_ =	sdelay $0x7  }
0x61: {  	v44 =	vld.idx.msk [tilespmem:v0+s29+$0x0], $0xffff  }
0x62: {  	v0 =	vld [tilespmem:$0x1FFF0];
	_ =	sdelay $0x3  }
0x63: {  	v43 =	vld.idx.msk [tilespmem:v23+s4+$0x0], $0xffff  }
0x64: {  	v28 =	vld.idx.msk [tilespmem:v23+s5+$0x0], $0xffff  }
0x65: {  	v45 =	vld.idx.msk [tilespmem:v26+s4+$0x0], $0xffff  }
0x66: {  	v47 =	vld.idx.msk [tilespmem:v10+s4+$0x0], $0xffff  }
0x67: {  	v46 =	vld.idx.msk [tilespmem:v0+s29+$0x0], $0xffff  }
0x68: {  	v48 =	vld.idx.msk [tilespmem:v3+s29+$0x0], $0xffff;
	v29 =	vmul.f32 v43, v29  }
0x69: {  	v49 =	vld.idx.msk [tilespmem:v11+s4+$0x0], $0xffff  }
0x6a: {  	v28 =	vadd.f32 v29, v28;
	v29 =	vmul.f32 v45, v44;
	_ =	sdelay $0x1  }
0x6b: {  	v28 =	vadd.f32 v29, v28;
	v29 =	vmul.f32 v47, v46;
	_ =	sdelay $0x1  }
0x6c: {  	v28 =	vadd.f32 v29, v28;
	v29 =	vmul.f32 v49, v48;
	_ =	sdelay $0x1  }
0x6d: {  	v28 =	vadd.f32 v29, v28;
	_ =	sdelay $0x1  }
0x6e: {  	[tilespmem:$0xE010] =	vst v28  }
0x6f: {  	v28 =	vld.idx.msk [tilespmem:v24+s5+$0x0], $0xffff  }
0x70: {  	v29 =	vld.idx.msk [tilespmem:v4+s29+$0x0], $0xffff  }
0x71: {  	v50 =	vld.idx.msk [tilespmem:v24+s4+$0x0], $0xffff  }
0x72: {  	v51 =	vld.idx.msk [tilespmem:v5+s29+$0x0], $0xffff  }
0x73: {  	v52 =	vld.idx.msk [tilespmem:v27+s4+$0x0], $0xffff  }
0x74: {  	v53 =	vld.idx.msk [tilespmem:v6+s29+$0x0], $0xffff  }
0x75: {  	v54 =	vld.idx.msk [tilespmem:v12+s4+$0x0], $0xffff  }
0x76: {  	v55 =	vld.idx.msk [tilespmem:v7+s29+$0x0], $0xffff;
	v29 =	vmul.f32 v50, v29  }
0x77: {  	v56 =	vld.idx.msk [tilespmem:v13+s4+$0x0], $0xffff  }
0x78: {  	v28 =	vadd.f32 v29, v28;
	v29 =	vmul.f32 v52, v51;
	_ =	sdelay $0x1  }
0x79: {  	v28 =	vadd.f32 v29, v28;
	v29 =	vmul.f32 v54, v53;
	_ =	sdelay $0x1  }
0x7a: {  	v28 =	vadd.f32 v29, v28;
	v29 =	vmul.f32 v56, v55;
	_ =	sdelay $0x1  }
0x7b: {  	v28 =	vadd.f32 v29, v28;
	_ =	sdelay $0x1  }
0x7c: {  	[tilespmem:$0xE020] =	vst v28  }
0x7d: {  	v28 =	vld.idx.msk [tilespmem:v14+s5+$0x0], $0xffff  }
0x7e: {  	v29 =	vld.idx.msk [tilespmem:v19+s29+$0x0], $0xffff  }
0x7f: {  	v57 =	vld.idx.msk [tilespmem:v14+s4+$0x0], $0xffff  }
0x80: {  	v58 =	vld.idx.msk [tilespmem:v20+s29+$0x0], $0xffff  }
0x81: {  	v59 =	vld.idx.msk [tilespmem:v25+s4+$0x0], $0xffff  }
0x82: {  	v60 =	vld.idx.msk [tilespmem:v21+s29+$0x0], $0xffff  }
0x83: {  	v61 =	vld.idx.msk [tilespmem:v8+s4+$0x0], $0xffff  }
0x84: {  	v62 =	vld.idx.msk [tilespmem:v22+s29+$0x0], $0xffff;
	v29 =	vmul.f32 v57, v29  }
0x85: {  	v63 =	vld.idx.msk [tilespmem:v9+s4+$0x0], $0xffff  }
0x86: {  	v28 =	vadd.f32 v29, v28;
	v29 =	vmul.f32 v59, v58;
	_ =	sdelay $0x1  }
0x87: {  	v28 =	vadd.f32 v29, v28;
	v29 =	vmul.f32 v61, v60;
	_ =	sdelay $0x1  }
0x88: {  	v28 =	vadd.f32 v29, v28;
	v29 =	vmul.f32 v63, v62;
	_ =	sdelay $0x1  }
0x89: {  	v28 =	vadd.f32 v29, v28;
	_ =	sdelay $0x1  }
0x8a: {  	s4 =	simm.s32 $0x0;
	[tilespmem:$0xE030] =	vst v28  }
.LBB2_2:
0x8b: {  	s0 =	sadd.s32 $0x1, s4;
	s2 =	simm.s32 $0x1  }
0x8c: {  	p0 =	seq.s32 s4, $0x18;
	s1 =	sand.u32 $0x1, s4;
	_ =	swait.ge [sflag:s2], $0x1000  }
0x8d: {  	[dreg:$0x12] =	wrdreg s0;
	s0 =	sshll.u32 @!p0 s0, $0x11;
	[sflag:s2] =	ssyncset.done $0x0  }
0x8e: {  	p1 =	slt.u32 @!p0 s4, $0x2;
	s0 =	sor.u32 @!p0 s3, s0;
	[sflag:s2] =	ssyncadd.s32 $0xFFFFF000  }
0x8f: {  	s2 =	sshll.u32 @!p0 s1, $0xC;
	s0 =	sshrl.u32 @!p0 s0, $0x3;
	s3 =	rddreg [dreg:$0x0]  }
0x90: {  	s2 =	sxor.u32 @!p0 $0x1000, s2;
	s0 =	sadd.s32 @!p0 s3, s0;
	s3 =	simm.s32 @!p0 $0x0  }
0x91: {  	[tilespmem:s2], [sflag:$0x1] =	stream.linear.gather @!p0 [hbm4b:s0+s3], $0x1000, $0x38;
	[tilespmem:$0xEB00] =	vst v63  }
0x92: {  	p0 =	por p0, !p1  }
0x93: {  	[dreg:$0x13] =	wrdreg s4;
	s0 =	simm.s32 @p0 $0x2  }
0x94: {  	_ =	swait.ge @p0 [sflag:s0], $0x1000  }
0x95: {  	[sflag:s0] =	ssyncset.done @p0 $0x0  }
0x96: {  	[sflag:s0] =	ssyncadd.s32 @p0 $0xFFFFF000  }
0x97: {  	_ =	swait.ge @p0 [sflag:s0], $0x1000  }
0x98: {  	[sflag:s0] =	ssyncset.done @p0 $0x0  }
0x99: {  	[sflag:s0] =	ssyncadd.s32 @p0 $0xFFFFF000  }
0x9a: {  	_ =	swait.ge @p0 [sflag:s0], $0x1000  }
0x9b: {  	[sflag:s0] =	ssyncset.done @p0 $0x0  }
0x9c: {  	[sflag:s0] =	ssyncadd.s32 @p0 $0xFFFFF000  }
0x9d: {  	_ =	swait.ge @p0 [sflag:s0], $0x1000  }
0x9e: {  	[sflag:s0] =	ssyncset.done @p0 $0x0  }
0x9f: {  	[sflag:s0] =	ssyncadd.s32 @p0 $0xFFFFF000  }
0xa0: {  	_ =	swait.ge @p0 [sflag:s0], $0x1000  }
0xa1: {  	[sflag:s0] =	ssyncset.done @p0 $0x0  }
0xa2: {  	[sflag:s0] =	ssyncadd.s32 @p0 $0xFFFFF000  }
0xa3: {  	s13 =	sshll.u32 s1, $0xC;
	_ =	swait.ge @p0 [sflag:s0], $0x1000  }
0xa4: {  	s14 =	simm.s32 $0x0;
	[dreg:$0x6] =	wrdreg s13;
	[sflag:s0] =	ssyncset.done @p0 $0x0  }
0xa5: {  	s4 =	sand.u32 $0xF80, s14;
	[sflag:s0] =	ssyncadd.s32 @p0 $0xFFFFF000;
	s0 =	rddreg [dreg:$0x6]  }
0xa6: {  	s12 =	sand.u32 $0x7FFFF000, s14;
	s11 =	sand.u32 $0x40, s14;
	s0 =	sadd.s32 s4, s0  }
0xa7: {  	s15 =	sadd.s32 s12, s0;
	s0 =	sor.u32 $0x30, s11  }
0xa8: {  	s18 =	sadd.s32 s0, s15  }
0xa9: {  	s17 =	sor.u32 $0x10, s11;
	s19 =	sadd.s32 s11, s15;
	v28 =	vld [tilespmem:s18+$0x0]  }
0xaa: {  	s13 =	sor.u32 $0x20, s11;
	s5 =	sadd.s32 s17, s15;
	v29 =	vld [tilespmem:s19+$0x0]  }
0xab: {  	s2 =	sadd.s32 s13, s15;
	v31 =	vld [tilespmem:s5+$0x0]  }
0xac: {  	v33 =	vld [tilespmem:s2+$0x0];
	_ =	sdelay $0x1  }
0xad: {  	v32 =	vmul.u32 $0x6, v28  }
0xae: {  	v30 =	vmul.u32 $0x6, v29  }
0xaf: {  	v28 =	vmul.u32 $0x6, v31  }
0xb0: {  	v29 =	vmul.u32 $0x6, v33  }
0xb1: {  	s1 =	smul.u32 $0x18000, s1;
	_ =	sdelay $0x1  }
0xb2: {  	s2 =	sshrl.u32 s1, $0x2;
	v31 =	vld.idx.msk [tilespmem:v32+s16+$0x0], $0xffff  }
0xb3: {  	s19 =	sadd.s32 $0x2000, s2;
	v34 =	vor.u32 $0x1, v32;
	v51 =	vld.idx.msk [tilespmem:v30+s16+$0x0], $0xffff  }
0xb4: {  	s20 =	sadd.s32 s4, s19;
	v36 =	vld.idx.msk [tilespmem:v28+s16+$0x0], $0xffff  }
0xb5: {  	s1 =	sadd.s32 s12, s20;
	v35 =	vor.u32 $0x1, v30;
	v38 =	vld.idx.msk [tilespmem:v29+s16+$0x0], $0xffff  }
0xb6: {  	s7 =	simm.s32 $0x40;
	s21 =	sadd.s32 s0, s1;
	v39 =	vor.u32 $0x1, v29  }
0xb7: {  	s8 =	sand.u32 $0xF80, s7;
	s23 =	rddreg [dreg:$0x6];
	s6 =	sadd.s32 s11, s1;
	[tilespmem:s21+$0x0] =	vst v31  }
0xb8: {  	s25 =	sand.u32 $0x40, s7;
	s5 =	sadd.s32 s8, s23;
	s9 =	sadd.s32 s17, s1;
	v31 =	vor.u32 $0x1, v28;
	[tilespmem:s6+$0x0] =	vst v51;
	v34 =	vld.idx.msk [tilespmem:v34+s16+$0x0], $0xffff  }
0xb9: {  	s20 =	sadd.s32 $0x3000, s2;
	s1 =	sadd.s32 s13, s1;
	v37 =	vadd.s32 $0x2, v32;
	[tilespmem:s9+$0x0] =	vst v36;
	s9 =	sand.u32 $0x7FFFF000, s7  }
0xba: {  	s10 =	sor.u32 $0x30, s25;
	s22 =	sadd.s32 s4, s20;
	[tilespmem:s1+$0x0] =	vst v38;
	v33 =	vld.idx.msk [tilespmem:v35+s16+$0x0], $0xffff;
	s5 =	sadd.s32 s9, s5  }
0xbb: {  	s3 =	sadd.s32 s12, s22;
	v55 =	vld.idx.msk [tilespmem:v39+s16+$0x0], $0xffff;
	s26 =	sadd.s32 s10, s5  }
0xbc: {  	s24 =	sadd.s32 s0, s3;
	v54 =	vld [tilespmem:s26+$0x0]  }
0xbd: {  	v52 =	vld.idx.msk [tilespmem:v31+s16+$0x0], $0xffff;
	[tilespmem:s24+$0x0] =	vst v34  }
0xbe: {  	s29 =	sor.u32 $0x20, s25;
	v53 =	vadd.s32 $0x2, v30;
	s21 =	sadd.s32 $0x4000, s2;
	v31 =	vld.idx.msk [tilespmem:v37+s16+$0x0], $0xffff  }
0xbf: {  	v41 =	vadd.s32 $0x2, v29;
	s14 =	sadd.s32 s4, s21;
	s6 =	sadd.s32 s25, s5;
	s26 =	sor.u32 $0x10, s25  }
0xc0: {  	s15 =	sadd.s32 s11, s3;
	v57 =	vadd.s32 $0x2, v28;
	s14 =	sadd.s32 s12, s14;
	v40 =	vld [tilespmem:s6+$0x0];
	s7 =	sadd.s32 s26, s5  }
0xc1: {  	v56 =	vadd.s32 $0x3, v32;
	s5 =	sadd.s32 s29, s5;
	v42 =	vld [tilespmem:s7+$0x0];
	[tilespmem:s15+$0x0] =	vst v33;
	s24 =	sadd.s32 s17, s3;
	s3 =	sadd.s32 s13, s3  }
0xc2: {  	s23 =	simm.s32 $0x80;
	s22 =	sadd.s32 s0, s14;
	v43 =	vld [tilespmem:s5+$0x0];
	[tilespmem:s3+$0x0] =	vst v55  }
0xc3: {  	s18 =	rddreg [dreg:$0x6];
	s31 =	sand.u32 $0xF80, s23;
	v34 =	vld.idx.msk [tilespmem:v53+s16+$0x0], $0xffff;
	[tilespmem:s22+$0x0] =	vst v31;
	v31 =	vmul.u32 $0x6, v54  }
0xc4: {  	s28 =	sand.u32 $0x7FFFF000, s23;
	s1 =	sadd.s32 s31, s18;
	v60 =	vld.idx.msk [tilespmem:v41+s16+$0x0], $0xffff;
	[tilespmem:s24+$0x0] =	vst v52  }
0xc5: {  	s1 =	sadd.s32 s28, s1;
	s24 =	sand.u32 $0x40, s23;
	v59 =	vld.idx.msk [tilespmem:v57+s16+$0x0], $0xffff  }
0xc6: {  	s30 =	sor.u32 $0x30, s24;
	s6 =	sadd.s32 s24, s1;
	v58 =	vld.idx.msk [tilespmem:v56+s16+$0x0], $0xffff  }
0xc7: {  	v61 =	vadd.s32 $0x4, v32;
	v37 =	vmul.u32 $0x6, v40;
	v33 =	vmul.u32 $0x6, v42;
	s22 =	sadd.s32 $0x5000, s2;
	s5 =	sadd.s32 s30, s1;
	v42 =	vld [tilespmem:s6+$0x0]  }
0xc8: {  	s3 =	sor.u32 $0x10, s24;
	s7 =	sadd.s32 s4, s22;
	v40 =	vld [tilespmem:s5+$0x0]  }
0xc9: {  	v35 =	vmul.u32 $0x6, v43;
	s18 =	sadd.s32 s3, s1;
	s6 =	sor.u32 $0x20, s24;
	s5 =	sadd.s32 s12, s7;
	v62 =	vld.idx.msk [tilespmem:v31+s16+$0x0], $0xffff  }
0xca: {  	v36 =	vld [tilespmem:s18+$0x0];
	s1 =	sadd.s32 s6, s1;
	s15 =	sadd.s32 s0, s5  }
0xcb: {  	s23 =	sadd.s32 s8, s19;
	v44 =	vor.u32 $0x1, v31;
	v46 =	vld [tilespmem:s1+$0x0];
	[tilespmem:s15+$0x0] =	vst v58  }
0xcc: {  	s7 =	sadd.s32 s11, s14;
	s15 =	sadd.s32 s9, s23;
	v41 =	vld.idx.msk [tilespmem:v61+s16+$0x0], $0xffff  }
0xcd: {  	v45 =	vadd.s32 $0x3, v30;
	v48 =	vld.idx.msk [tilespmem:v37+s16+$0x0], $0xffff;
	s1 =	sadd.s32 $0x6000, s2;
	[tilespmem:s7+$0x0] =	vst v34;
	s18 =	sadd.s32 s10, s15  }
0xce: {  	v47 =	vadd.s32 $0x3, v28;
	v63 =	vld.idx.msk [tilespmem:v33+s16+$0x0], $0xffff;
	s23 =	sadd.s32 s17, s14;
	[tilespmem:s18+$0x0] =	vst v62;
	s18 =	sadd.s32 s4, s1  }
0xcf: {  	v52 =	vor.u32 $0x1, v37;
	v49 =	vld.idx.msk [tilespmem:v35+s16+$0x0], $0xffff;
	s14 =	sadd.s32 s13, s14;
	[tilespmem:s23+$0x0] =	vst v59;
	s7 =	sadd.s32 s12, s18  }
0xd0: {  	v32 =	vadd.s32 $0x5, v32;
	[tilespmem:s14+$0x0] =	vst v60;
	v44 =	vld.idx.msk [tilespmem:v44+s16+$0x0], $0xffff;
	s23 =	sadd.s32 s0, s7  }
0xd1: {  	v53 =	vor.u32 $0x1, v33;
	s18 =	sadd.s32 s25, s15;
	[tilespmem:s23+$0x0] =	vst v41;
	s23 =	sadd.s32 s8, s20  }
0xd2: {  	v55 =	vadd.s32 $0x2, v31;
	v54 =	vld.idx.msk [tilespmem:v45+s16+$0x0], $0xffff;
	[tilespmem:s18+$0x0] =	vst v48;
	s14 =	sadd.s32 s9, s23;
	s23 =	sadd.s32 s26, s15  }
0xd3: {  	v56 =	vor.u32 $0x1, v35;
	v47 =	vld.idx.msk [tilespmem:v47+s16+$0x0], $0xffff;
	s15 =	sadd.s32 s29, s15;
	[tilespmem:s23+$0x0] =	vst v63  }
0xd4: {  	v57 =	vadd.s32 $0x3, v29;
	v43 =	vld.idx.msk [tilespmem:v52+s16+$0x0], $0xffff;
	s23 =	sadd.s32 s10, s14;
	[tilespmem:s15+$0x0] =	vst v49  }
0xd5: {  	s2 =	sadd.s32 $0x7000, s2;
	v32 =	vld.idx.msk [tilespmem:v32+s16+$0x0], $0xffff;
	[tilespmem:s23+$0x0] =	vst v44  }
0xd6: {  	v58 =	vadd.s32 $0x4, v30;
	s18 =	sadd.s32 s11, s5;
	v38 =	vld.idx.msk [tilespmem:v53+s16+$0x0], $0xffff;
	[dreg:$0xc] =	wrdreg s2  }
0xd7: {  	s4 =	sadd.s32 s4, s2;
	s23 =	sadd.s32 s17, s5;
	v45 =	vld.idx.msk [tilespmem:v55+s16+$0x0], $0xffff;
	[tilespmem:s18+$0x0] =	vst v54  }
0xd8: {  	v59 =	vadd.s32 $0x4, v28;
	s4 =	sadd.s32 s12, s4;
	v61 =	vld.idx.msk [tilespmem:v56+s16+$0x0], $0xffff;
	[tilespmem:s23+$0x0] =	vst v47  }
0xd9: {  	v60 =	vadd.s32 $0x2, v37;
	s0 =	sadd.s32 s0, s4;
	v48 =	vld.idx.msk [tilespmem:v57+s16+$0x0], $0xffff;
	[dreg:$0x9] =	wrdreg s21  }
0xda: {  	v63 =	vadd.s32 $0x2, v33;
	s15 =	sadd.s32 s25, s14;
	s2 =	sadd.s32 s8, s21;
	[tilespmem:s0+$0x0] =	vst v32  }
0xdb: {  	v62 =	vadd.s32 $0x3, v31;
	s21 =	sadd.s32 s26, s14;
	v34 =	vld.idx.msk [tilespmem:v58+s16+$0x0], $0xffff;
	s0 =	sadd.s32 s9, s2;
	[tilespmem:s15+$0x0] =	vst v43  }
0xdc: {  	v52 =	vadd.s32 $0x2, v35;
	s18 =	sadd.s32 s10, s0;
	[tilespmem:s21+$0x0] =	vst v38  }
0xdd: {  	v53 =	vadd.s32 $0x4, v29;
	s23 =	sadd.s32 s29, s14;
	v44 =	vld.idx.msk [tilespmem:v59+s16+$0x0], $0xffff;
	[tilespmem:s18+$0x0] =	vst v45  }
0xde: {  	v30 =	vadd.s32 $0x5, v30;
	s5 =	sadd.s32 s13, s5;
	v55 =	vadd.s32 $0x5, v28;
	v28 =	vmul.u32 $0x6, v40;
	v54 =	vld.idx.msk [tilespmem:v60+s16+$0x0], $0xffff;
	[tilespmem:s23+$0x0] =	vst v61  }
0xdf: {  	v41 =	vmul.u32 $0x6, v42;
	s2 =	sadd.s32 s11, s7;
	v57 =	vld.idx.msk [tilespmem:v63+s16+$0x0], $0xffff;
	[tilespmem:s5+$0x0] =	vst v48  }
0xe0: {  	v56 =	vld.idx.msk [tilespmem:v62+s16+$0x0], $0xffff;
	[tilespmem:s2+$0x0] =	vst v34  }
0xe1: {  	s14 =	sadd.s32 s17, s7;
	v58 =	vld.idx.msk [tilespmem:v52+s16+$0x0], $0xffff;
	[dreg:$0xa] =	wrdreg s22  }
0xe2: {  	v50 =	vmul.u32 $0x6, v36;
	v59 =	vadd.s32 $0x4, v31;
	s15 =	sadd.s32 s8, s22;
	s18 =	sadd.s32 s25, s0;
	v43 =	vld.idx.msk [tilespmem:v53+s16+$0x0], $0xffff;
	[tilespmem:s14+$0x0] =	vst v44  }
0xe3: {  	v51 =	vmul.u32 $0x6, v46;
	s12 =	sadd.s32 s9, s15;
	s22 =	sadd.s32 s26, s0;
	v30 =	vld.idx.msk [tilespmem:v30+s16+$0x0], $0xffff;
	[tilespmem:s18+$0x0] =	vst v54  }
0xe4: {  	s21 =	sadd.s32 s10, s12;
	v60 =	vld.idx.msk [tilespmem:v28+s16+$0x0], $0xffff;
	[tilespmem:s22+$0x0] =	vst v57  }
0xe5: {  	s0 =	sadd.s32 s29, s0;
	v63 =	vld.idx.msk [tilespmem:v41+s16+$0x0], $0xffff;
	[tilespmem:s21+$0x0] =	vst v56  }
0xe6: {  	v38 =	vld.idx.msk [tilespmem:v55+s16+$0x0], $0xffff;
	[tilespmem:s0+$0x0] =	vst v58  }
0xe7: {  	s23 =	sadd.s32 s13, s7;
	v44 =	vadd.s32 $0x3, v37;
	v62 =	vld.idx.msk [tilespmem:v59+s16+$0x0], $0xffff;
	[dreg:$0x7] =	wrdreg s19  }
0xe8: {  	v61 =	vadd.s32 $0x3, v33;
	v56 =	vld.idx.msk [tilespmem:v50+s16+$0x0], $0xffff;
	[tilespmem:s23+$0x0] =	vst v43  }
0xe9: {  	v36 =	vadd.s32 $0x4, v37;
	s2 =	sadd.s32 s11, s4;
	s11 =	sadd.s32 s31, s19;
	v54 =	vor.u32 $0x1, v28;
	v58 =	vld.idx.msk [tilespmem:v51+s16+$0x0], $0xffff;
	[dreg:$0xb] =	wrdreg s1  }
0xea: {  	v39 =	vadd.s32 $0x3, v50;
	v46 =	vadd.s32 $0x4, v50;
	s15 =	sadd.s32 s28, s11;
	s14 =	sadd.s32 s17, s4;
	v57 =	vor.u32 $0x1, v41;
	[tilespmem:s2+$0x0] =	vst v30  }
0xeb: {  	v42 =	vadd.s32 $0x2, v41;
	v49 =	vor.u32 $0x1, v51;
	s17 =	sadd.s32 s8, s1;
	s18 =	sadd.s32 s30, s15;
	v55 =	vadd.s32 $0x5, v31;
	[tilespmem:s14+$0x0] =	vst v38  }
0xec: {  	v40 =	vadd.s32 $0x3, v35;
	v47 =	vadd.s32 $0x4, v41;
	s22 =	sadd.s32 s24, s15;
	v59 =	vor.u32 $0x1, v50;
	s19 =	sadd.s32 s9, s17;
	v52 =	vld.idx.msk [tilespmem:v44+s16+$0x0], $0xffff;
	[tilespmem:s18+$0x0] =	vst v60  }
0xed: {  	v32 =	vadd.s32 $0x5, v29;
	v29 =	vadd.s32 $0x5, v33;
	s13 =	sadd.s32 s13, s4;
	v48 =	vadd.s32 $0x3, v51;
	s21 =	sadd.s32 s10, s19;
	v53 =	vld.idx.msk [tilespmem:v61+s16+$0x0], $0xffff;
	[tilespmem:s22+$0x0] =	vst v63  }
0xee: {  	s5 =	sadd.s32 s25, s12;
	s7 =	sadd.s32 s26, s12;
	v45 =	vadd.s32 $0x5, v51;
	v34 =	vadd.s32 $0x4, v33;
	v33 =	vadd.s32 $0x4, v35;
	s23 =	sadd.s32 s3, s15;
	v54 =	vld.idx.msk [tilespmem:v54+s16+$0x0], $0xffff;
	[tilespmem:s21+$0x0] =	vst v62  }
0xef: {  	s11 =	sadd.s32 s6, s15;
	s0 =	sadd.s32 s29, s12;
	s12 =	simm.s32 $0xC0;
	v43 =	vadd.s32 $0x2, v50;
	v30 =	vadd.s32 $0x5, v35;
	v35 =	vadd.s32 $0x5, v50;
	v50 =	vld.idx.msk [tilespmem:v57+s16+$0x0], $0xffff;
	[tilespmem:s23+$0x0] =	vst v56  }
0xf0: {  	v31 =	vadd.s32 $0x5, v37;
	v37 =	vadd.s32 $0x3, v41;
	s17 =	simm.s32 $0x8;
	s4 =	sadd.s32 s26, s19;
	s15 =	sadd.s32 s25, s19;
	v44 =	vadd.s32 $0x2, v51;
	v55 =	vld.idx.msk [tilespmem:v55+s16+$0x0], $0xffff;
	[tilespmem:s11+$0x0] =	vst v58  }
0xf1: {  	v38 =	vadd.s32 $0x5, v41;
	v41 =	vadd.s32 $0x4, v51;
	s14 =	sadd.s32 s31, s20;
	s11 =	sadd.s32 s29, s19;
	v56 =	vadd.s32 $0x2, v28;
	v51 =	vld.idx.msk [tilespmem:v59+s16+$0x0], $0xffff;
	[dreg:$0x8] =	wrdreg s20  }
.LBB2_3:
0xf2: {  	_ = 	snop  }
0xf3: {  	s14 =	sadd.s32 s28, s14;
	v49 =	vld.idx.msk [tilespmem:v49+s16+$0x0], $0xffff;
	s1 =	rddreg [dreg:$0xc]  }
0xf4: {  	s18 =	rddreg [dreg:$0x6];
	s21 =	sadd.s32 s8, s1;
	s22 =	sadd.s32 s30, s14;
	[tilespmem:s5+$0x0] =	vst v52;
	v52 =	vld.idx.msk [tilespmem:v40+s16+$0x0], $0xffff  }
0xf5: {  	s9 =	sadd.s32 s9, s21;
	s21 =	sand.u32 $0x40, s12;
	[tilespmem:s7+$0x0] =	vst v53;
	s7 =	sand.u32 $0xF80, s12;
	v53 =	vld.idx.msk [tilespmem:v32+s16+$0x0], $0xffff  }
0xf6: {  	v40 =	vmov v48;
	[tilespmem:s22+$0x0] =	vst v54;
	s5 =	sadd.s32 s10, s9;
	s10 =	sand.u32 $0x7FFFF000, s12;
	v48 =	vld.idx.msk [tilespmem:v36+s16+$0x0], $0xffff;
	s23 =	sadd.s32 s7, s18  }
0xf7: {  	v36 =	vmov v47;
	v47 =	vld.idx.msk [tilespmem:v34+s16+$0x0], $0xffff;
	[tilespmem:s5+$0x0] =	vst v55;
	s8 =	sadd.s32 s10, s23;
	s23 =	sor.u32 $0x30, s21  }
0xf8: {  	v34 =	vmov v46;
	v46 =	vld.idx.msk [tilespmem:v56+s16+$0x0], $0xffff;
	s19 =	sadd.s32 s23, s8  }
0xf9: {  	s22 =	sor.u32 $0x10, s21;
	v32 =	vmov v30;
	v30 =	vmov v45;
	s1 =	sadd.s32 s21, s8;
	v45 =	vld [tilespmem:s19+$0x0]  }
0xfa: {  	s2 =	sadd.s32 s24, s14;
	s5 =	sor.u32 $0x20, s21;
	s20 =	sadd.s32 s22, s8;
	v61 =	vld [tilespmem:s1+$0x0]  }
0xfb: {  	v60 =	vadd.s32 $0x3, v28;
	s8 =	sadd.s32 s5, s8;
	[tilespmem:s2+$0x0] =	vst v50;
	s19 =	rddreg [dreg:$0x9];
	s1 =	sadd.s32 s6, s14;
	v62 =	vld [tilespmem:s20+$0x0]  }
0xfc: {  	v63 =	vld [tilespmem:s8+$0x0];
	s2 =	sadd.s32 s31, s19;
	s19 =	sadd.s32 s3, s14;
	[tilespmem:s1+$0x0] =	vst v49  }
0xfd: {  	v56 =	vld.idx.msk [tilespmem:v42+s16+$0x0], $0xffff;
	s2 =	sadd.s32 s28, s2;
	[tilespmem:s19+$0x0] =	vst v51  }
0xfe: {  	s18 =	sadd.s32 s26, s9;
	[tilespmem:s0+$0x0] =	vst v52;
	s26 =	sadd.s32 s30, s2;
	v54 =	vld.idx.msk [tilespmem:v43+s16+$0x0], $0xffff;
	v57 =	vmul.u32 $0x6, v45  }
0xff: {  	s17 =	sadd.s32 $0x4, s17;
	s8 =	smov.u32 s31;
	v55 =	vld.idx.msk [tilespmem:v44+s16+$0x0], $0xffff;
	[tilespmem:s26+$0x0] =	vst v46;
	v52 =	vmul.u32 $0x6, v61  }
0x100: {  	s14 =	sadd.s32 s25, s9;
	s31 =	smov.u32 s7;
	s7 =	rddreg [dreg:$0xa];
	[tilespmem:s15+$0x0] =	vst v48;
	v45 =	vld.idx.msk [tilespmem:v60+s16+$0x0], $0xffff;
	v50 =	vmul.u32 $0x6, v62  }
0x101: {  	s15 =	smov.u32 s24;
	s0 =	sadd.s32 s8, s7;
	s25 =	sadd.s32 s24, s2;
	[tilespmem:s4+$0x0] =	vst v47;
	v60 =	vld.idx.msk [tilespmem:v33+s16+$0x0], $0xffff  }
0x102: {  	v58 =	vadd.s32 $0x4, v28;
	s20 =	sadd.s32 s3, s2;
	s19 =	sadd.s32 s6, s2;
	s2 =	sadd.s32 s29, s9;
	v51 =	vmul.u32 $0x6, v63;
	[tilespmem:s13+$0x0] =	vst v53;
	v62 =	vld.idx.msk [tilespmem:v31+s16+$0x0], $0xffff  }
0x103: {  	s9 =	smov.u32 s28;
	s28 =	smov.u32 s10;
	s10 =	smov.u32 s30;
	[tilespmem:s25+$0x0] =	vst v56;
	v56 =	vld.idx.msk [tilespmem:v29+s16+$0x0], $0xffff  }
0x104: {  	s29 =	smov.u32 s6;
	s6 =	smov.u32 s5;
	s0 =	sadd.s32 s9, s0;
	[tilespmem:s20+$0x0] =	vst v54;
	v0 =	vld.idx.msk [tilespmem:v57+s16+$0x0], $0xffff  }
0x105: {  	s5 =	sadd.s32 s15, s0;
	s25 =	smov.u32 s15;
	s15 =	sadd.s32 s10, s0;
	[tilespmem:s19+$0x0] =	vst v55;
	v1 =	vld.idx.msk [tilespmem:v52+s16+$0x0], $0xffff  }
0x106: {  	p0 =	slt.u32 s17, $0xFC;
	s24 =	smov.u32 s21;
	s21 =	rddreg [dreg:$0x7];
	v59 =	vor.u32 $0x1, v52;
	v42 =	vadd.s32 $0x2, v52;
	v54 =	vor.u32 $0x1, v57;
	[tilespmem:s15+$0x0] =	vst v45;
	v2 =	vld.idx.msk [tilespmem:v50+s16+$0x0], $0xffff  }
0x107: {  	s30 =	smov.u32 s23;
	s26 =	smov.u32 s3;
	s1 =	sadd.s32 s31, s21;
	v61 =	vor.u32 $0x1, v50;
	v43 =	vadd.s32 $0x2, v50;
	v63 =	vadd.s32 $0x3, v50;
	[tilespmem:s11+$0x0] =	vst v60;
	v58 =	vld.idx.msk [tilespmem:v58+s16+$0x0], $0xffff  }
0x108: {  	s3 =	smov.u32 s22;
	s22 =	rddreg [dreg:$0xb];
	s1 =	sadd.s32 s28, s1;
	v29 =	vmovc v35;
	v46 =	vadd.s32 $0x4, v50;
	v35 =	vadd.s32 $0x5, v50;
	v50 =	vadd.s32 $0x5, v28;
	v60 =	vld.idx.msk [tilespmem:v51+s16+$0x0], $0xffff;
	[tilespmem:s14+$0x0] =	vst v62  }
0x109: {  	v31 =	vmovc v38;
	s13 =	smov.u32 s2;
	s2 =	sadd.s32 s8, s22;
	v53 =	vadd.s32 $0x3, v52;
	v47 =	vadd.s32 $0x4, v52;
	v38 =	vadd.s32 $0x5, v52;
	s20 =	sadd.s32 s30, s1;
	[tilespmem:s18+$0x0] =	vst v56;
	v52 =	vld.idx.msk [tilespmem:v37+s16+$0x0], $0xffff  }
.Ltmp0:
0x10a: {  	s2 =	sadd.s32 s9, s2;
	s21 =	sadd.s32 s3, s1;
	v37 =	vmov v53;
	v53 =	vld.idx.msk [tilespmem:v39+s16+$0x0], $0xffff;
	[tilespmem:s20+$0x0] =	vst v0;
	(pc) =	sbr.rel @p0 .LBB2_3-.Ltmp0, $4  }
0x10b: {  	s12 =	sadd.s32 $0x40, s12;
	v49 =	vor.u32 $0x1, v51;
	v44 =	vadd.s32 $0x2, v51;
	s22 =	sadd.s32 s10, s2;
	[tilespmem:s21+$0x0] =	vst v2;
	v54 =	vld.idx.msk [tilespmem:v54+s16+$0x0], $0xffff  }
0x10c: {  	v33 =	vmovc v41;
	s7 =	sadd.s32 s26, s0;
	s0 =	sadd.s32 s29, s0;
	s23 =	sadd.s32 s24, s1;
	v48 =	vadd.s32 $0x3, v51;
	v41 =	vadd.s32 $0x4, v51;
	v45 =	vadd.s32 $0x5, v51;
	[tilespmem:s22+$0x0] =	vst v58;
	v51 =	vld.idx.msk [tilespmem:v61+s16+$0x0], $0xffff  }
0x10d: {  	s4 =	sadd.s32 s26, s2;
	s1 =	sadd.s32 s6, s1;
	v28 =	vmov v57;
	[tilespmem:s23+$0x0] =	vst v1;
	s23 =	rddreg [dreg:$0x8];
	v55 =	vld.idx.msk [tilespmem:v50+s16+$0x0], $0xffff  }
0x10e: {  	s11 =	sadd.s32 s29, s2;
	s15 =	sadd.s32 s25, s2;
	v39 =	vmov v63;
	v56 =	vadd.s32 $0x2, v28;
	[tilespmem:s1+$0x0] =	vst v60;
	s14 =	sadd.s32 s31, s23;
	v50 =	vld.idx.msk [tilespmem:v59+s16+$0x0], $0xffff  }
0x10f: {  	_ = 	snop  }
0x110: {  	[tilespmem:s5+$0x0] =	vst v52  }
0x111: {  	s1 =	sadd.s32 s28, s14;
	s12 =	rddreg [dreg:$0xc]  }
0x112: {  	s23 =	sadd.s32 s30, s1;
	[tilespmem:s7+$0x0] =	vst v53;
	s2 =	sadd.s32 s8, s12  }
0x113: {  	v0 =	vld.idx.msk [tilespmem:v49+s16+$0x0], $0xffff;
	[tilespmem:s23+$0x0] =	vst v54;
	s5 =	sadd.s32 s9, s2;
	s9 =	sadd.s32 s24, s1  }
0x114: {  	v2 =	vld.idx.msk [tilespmem:v40+s16+$0x0], $0xffff;
	s2 =	sadd.s32 s10, s5;
	[tilespmem:s9+$0x0] =	vst v50  }
0x115: {  	v1 =	vld.idx.msk [tilespmem:v56+s16+$0x0], $0xffff;
	[tilespmem:s2+$0x0] =	vst v55  }
0x116: {  	v36 =	vld.idx.msk [tilespmem:v36+s16+$0x0], $0xffff;
	s14 =	sadd.s32 s3, s1;
	s8 =	rddreg [dreg:$0x9]  }
0x117: {  	s1 =	sadd.s32 s6, s1;
	v42 =	vld.idx.msk [tilespmem:v42+s16+$0x0], $0xffff;
	[tilespmem:s14+$0x0] =	vst v51;
	s10 =	sadd.s32 s31, s8  }
0x118: {  	v60 =	vadd.s32 $0x3, v28;
	[tilespmem:s1+$0x0] =	vst v0;
	v0 =	vld.idx.msk [tilespmem:v43+s16+$0x0], $0xffff;
	s2 =	sadd.s32 s28, s10  }
0x119: {  	[tilespmem:s0+$0x0] =	vst v2;
	s17 =	sadd.s32 s30, s2  }
0x11a: {  	[tilespmem:s17+$0x0] =	vst v1;
	v1 =	vld.idx.msk [tilespmem:v44+s16+$0x0], $0xffff  }
0x11b: {  	v2 =	vld.idx.msk [tilespmem:v34+s16+$0x0], $0xffff;
	[tilespmem:s15+$0x0] =	vst v36;
	s18 =	sadd.s32 s24, s2  }
0x11c: {  	v32 =	vld.idx.msk [tilespmem:v32+s16+$0x0], $0xffff;
	s19 =	sadd.s32 s3, s2;
	[tilespmem:s18+$0x0] =	vst v42  }
0x11d: {  	v61 =	vld.idx.msk [tilespmem:v60+s16+$0x0], $0xffff;
	[tilespmem:s19+$0x0] =	vst v0  }
0x11e: {  	s20 =	sadd.s32 s6, s2;
	v0 =	vld.idx.msk [tilespmem:v37+s16+$0x0], $0xffff;
	s7 =	rddreg [dreg:$0xa]  }
0x11f: {  	v62 =	vadd.s32 $0x4, v28;
	s21 =	sadd.s32 s31, s7;
	[tilespmem:s20+$0x0] =	vst v1;
	v1 =	vld.idx.msk [tilespmem:v39+s16+$0x0], $0xffff  }
0x120: {  	[tilespmem:s4+$0x0] =	vst v2;
	s0 =	sadd.s32 s28, s21  }
0x121: {  	[tilespmem:s13+$0x0] =	vst v32;
	s22 =	sadd.s32 s30, s0  }
0x122: {  	v2 =	vld.idx.msk [tilespmem:v48+s16+$0x0], $0xffff;
	s23 =	sadd.s32 s24, s0;
	[tilespmem:s22+$0x0] =	vst v61  }
0x123: {  	v33 =	vld.idx.msk [tilespmem:v33+s16+$0x0], $0xffff;
	s2 =	sadd.s32 s3, s0;
	[tilespmem:s23+$0x0] =	vst v0  }
0x124: {  	v63 =	vld.idx.msk [tilespmem:v62+s16+$0x0], $0xffff;
	[tilespmem:s2+$0x0] =	vst v1  }
0x125: {  	v1 =	vld.idx.msk [tilespmem:v47+s16+$0x0], $0xffff;
	s9 =	rddreg [dreg:$0xb]  }
0x126: {  	v29 =	vld.idx.msk [tilespmem:v29+s16+$0x0], $0xffff;
	s0 =	sadd.s32 s6, s0;
	v0 =	vadd.s32 $0x5, v28;
	s4 =	sadd.s32 s31, s9  }
0x127: {  	[tilespmem:s0+$0x0] =	vst v2;
	v2 =	vld.idx.msk [tilespmem:v46+s16+$0x0], $0xffff;
	s10 =	sadd.s32 s28, s4  }
0x128: {  	v31 =	vld.idx.msk [tilespmem:v31+s16+$0x0], $0xffff;
	[tilespmem:s11+$0x0] =	vst v33;
	s1 =	sadd.s32 s30, s10  }
0x129: {  	v28 =	vld.idx.msk [tilespmem:v41+s16+$0x0], $0xffff;
	s13 =	sadd.s32 s24, s10;
	[tilespmem:s1+$0x0] =	vst v63  }
0x12a: {  	s17 =	sadd.s32 s26, s5;
	[tilespmem:s13+$0x0] =	vst v1;
	v1 =	vld.idx.msk [tilespmem:v30+s16+$0x0], $0xffff  }
0x12b: {  	[tilespmem:s17+$0x0] =	vst v29;
	s14 =	sadd.s32 s3, s10;
	v0 =	vld.idx.msk [tilespmem:v0+s16+$0x0], $0xffff  }
0x12c: {  	s11 =	sadd.s32 s25, s5;
	[tilespmem:s14+$0x0] =	vst v2;
	v2 =	vld.idx.msk [tilespmem:v38+s16+$0x0], $0xffff  }
0x12d: {  	s15 =	sadd.s32 s31, s12;
	[tilespmem:s11+$0x0] =	vst v31;
	s0 =	sadd.s32 s6, s10  }
0x12e: {  	s19 =	sadd.s32 s29, s5;
	s1 =	sadd.s32 s28, s15;
	[tilespmem:s0+$0x0] =	vst v28;
	v28 =	vld.idx.msk [tilespmem:v35+s16+$0x0], $0xffff  }
0x12f: {  	s18 =	sadd.s32 s30, s1;
	v29 =	vld.idx.msk [tilespmem:v45+s16+$0x0], $0xffff;
	[tilespmem:s19+$0x0] =	vst v1  }
0x130: {  	s20 =	sadd.s32 s24, s1;
	[tilespmem:s18+$0x0] =	vst v0  }
0x131: {  	s2 =	rddreg [dreg:$0x13];
	[tilespmem:s20+$0x0] =	vst v2  }
0x132: {  	s21 =	sadd.s32 s3, s1;
	s2 =	sshll.u32 s2, $0x11;
	s3 =	rddreg [dreg:$0xd]  }
0x133: {  	s1 =	sadd.s32 s6, s1;
	[tilespmem:s21+$0x0] =	vst v28;
	s2 =	sor.u32 s3, s2  }
0x134: {  	s23 =	rddreg [dreg:$0x4];
	[tilespmem:s1+$0x0] =	vst v29;
	s22 =	sshrl.u32 s2, $0x3  }
0x135: {  	s24 =	simm.s32 $0x0;
	s25 =	rddreg [dreg:$0x7];
	s0 =	sadd.s32 s23, s22  }
0x136: {  	[hbm4b:s0+s24] =	stream.linear.scatter [tilespmem:s25], [sflag:$0x2], $0x1000, $0x38;
	[tilespmem:$0xEB00] =	vst v63  }
0x137: {  	s4 =	rddreg [dreg:$0x8];
	s26 =	sadd.s32 $0x64000, s0  }
0x138: {  	[hbm4b:s26+s24] =	stream.linear.scatter [tilespmem:s4], [sflag:$0x2], $0x1000, $0x38;
	[tilespmem:$0xEB00] =	vst v63  }
0x139: {  	s31 =	rddreg [dreg:$0x12];
	s28 =	sadd.s32 $0xC8000, s0  }
0x13a: {  	[hbm4b:s28+s24] =	stream.linear.scatter [tilespmem:s8], [sflag:$0x2], $0x1000, $0x38;
	[tilespmem:$0xEB00] =	vst v63  }
0x13b: {  	p0 =	sne.s32 s31, $0x19;
	s29 =	sadd.s32 $0x12C000, s0  }
0x13c: {  	[hbm4b:s29+s24] =	stream.linear.scatter [tilespmem:s7], [sflag:$0x2], $0x1000, $0x38;
	[tilespmem:$0xEB00] =	vst v63  }
.Ltmp1:
0x13d: {  	_ = 	snop;
	(pc) =	sbr.rel @p0 .LBB2_2-.Ltmp1, $4  }
0x13e: {  	s30 =	sadd.s32 $0x190000, s0  }
0x13f: {  	[hbm4b:s30+s24] =	stream.linear.scatter [tilespmem:s9], [sflag:$0x2], $0x1000, $0x38;
	[tilespmem:$0xEB00] =	vst v63  }
0x140: {  	s0 =	sadd.s32 $0x1F4000, s0;
	s4 =	smov.u32 s31  }
0x141: {  	[hbm4b:s0+s24] =	stream.linear.scatter [tilespmem:s12], [sflag:$0x2], $0x1000, $0x38;
	[tilespmem:$0xEB00] =	vst v63  }
0x142: {  	s1 =	simm.s32 $0x2  }
0x143: {  	_ =	swait.ge [sflag:s1], $0x1000  }
0x144: {  	[sflag:s1] =	ssyncset.done $0x0  }
0x145: {  	[sflag:s1] =	ssyncadd.s32 $0xFFFFF000  }
0x146: {  	_ =	swait.ge [sflag:s1], $0x1000  }
0x147: {  	[sflag:s1] =	ssyncset.done $0x0  }
0x148: {  	[sflag:s1] =	ssyncadd.s32 $0xFFFFF000  }
0x149: {  	_ =	swait.ge [sflag:s1], $0x1000  }
0x14a: {  	[sflag:s1] =	ssyncset.done $0x0  }
0x14b: {  	[sflag:s1] =	ssyncadd.s32 $0xFFFFF000  }
0x14c: {  	_ =	swait.ge [sflag:s1], $0x1000  }
0x14d: {  	[sflag:s1] =	ssyncset.done $0x0  }
0x14e: {  	[sflag:s1] =	ssyncadd.s32 $0xFFFFF000  }
0x14f: {  	_ =	swait.ge [sflag:s1], $0x1000  }
0x150: {  	[sflag:s1] =	ssyncset.done $0x0  }
0x151: {  	[sflag:s1] =	ssyncadd.s32 $0xFFFFF000  }
0x152: {  	_ =	swait.ge [sflag:s1], $0x1000  }
0x153: {  	[sflag:s1] =	ssyncset.done $0x0  }
0x154: {  	[sflag:s1] =	ssyncadd.s32 $0xFFFFF000  }
0x155: {  	_ =	swait.ge [sflag:s1], $0x1000  }
0x156: {  	[sflag:s1] =	ssyncset.done $0x0  }
0x157: {  	[sflag:s1] =	ssyncadd.s32 $0xFFFFF000  }
0x158: {  	_ =	swait.ge [sflag:s1], $0x1000  }
0x159: {  	[sflag:s1] =	ssyncset.done $0x0  }
0x15a: {  	[sflag:s1] =	ssyncadd.s32 $0xFFFFF000  }
0x15b: {  	_ =	swait.ge [sflag:s1], $0x1000  }
0x15c: {  	[sflag:s1] =	ssyncset.done $0x0  }
0x15d: {  	[sflag:s1] =	ssyncadd.s32 $0xFFFFF000  }
0x15e: {  	_ =	swait.ge [sflag:s1], $0x1000  }
0x15f: {  	[sflag:s1] =	ssyncset.done $0x0  }
0x160: {  	[sflag:s1] =	ssyncadd.s32 $0xFFFFF000  }
0x161: {  	_ =	swait.ge [sflag:s1], $0x1000  }
0x162: {  	[sflag:s1] =	ssyncset.done $0x0  }
0x163: {  	[sflag:s1] =	ssyncadd.s32 $0xFFFFF000  }
0x164: {  	_ =	swait.ge [sflag:s1], $0x1000  }
0x165: {  	s2 =	rddreg [dreg:$0x11]  }
0x166: {  	s0 =	rddreg [dreg:$0x10];
	s2 =	sadd.s32 $0x1, s2  }
0x167: {  	p0 =	sne.s32 s2, s0  }
.Ltmp2:
0x168: {  	_ = 	snop;
	(pc) =	sbr.rel @p0 .LBB2_1-.Ltmp2, $3  }
0x169: {  	_ =	sdelay $0x1  }
0x16a: {  	[sflag:s1] =	ssyncset.done $0x0  }
0x16b: {  	[sflag:s1] =	ssyncadd.s32 $0xFFFFF000  }
0x16c: {  	_ =	sfence.sel $0x180000  }
0x16d: {  	[bflag:$0x0] =	sbarrier.arrive $0xFFFF  }
0x16e: {  	_ =	strace $0x90000047  }
0x16f: {  	s0 =	stileid.u32;
	[bflag:$0x2] =	sbarrier.arrive $0xFFFF  }
0x170: {  	p0 =	sne.s32 s0, $0x0;
	s0 =	rddreg [dreg:$0x5]  }
0x171: {  	s0 =	sadd.s32 @!p0 $0x100000, s0  }
0x172: {  	[sflag:s0] =	ssyncadd.tile.s32 @!p0 $0x1;
	_ =	shalt  }
.Lfunc_end2:
_tile_overlayer_lowered:
.L_overlay_start_2:
0x173: {  	(tag) =	ssettag $0x2  }
0x174: {  	s0 =	rddreg [dreg:$0x0];
	s2 =	stileid.u32  }
0x175: {  	s1 =	rddreg [dreg:$0x1];
	p0 =	sne.s32 s2, $0x0  }
0x176: {  	s3 =	rddreg [dreg:$0x2];
	[bflag:$0x3] =	sbarrier.arrive $0xFFFF;
	s2 =	simm.s32 @!p0 $0x1C03  }
0x177: {  	[timem:s3], [sflag:s2] =	dma.local @!p0 [hbm:s0], s1  }
0x178: {  	s0 =	simm.s32 @!p0 $0x3  }
0x179: {  	_ =	swait.ge @!p0 [sflag:s0], s1  }
0x17a: {  	s1 =	ssub.s32 @!p0 $0x0, s1;
	[sflag:s0] =	ssyncset.done @!p0 $0x0  }
0x17b: {  	[sflag:s0] =	ssyncadd.s32 @!p0 s1  }
0x17c: {  	[bflag:$0x3] =	sbarrier.arrive $0xFFFF  }
0x17d: {  	_ =	shalt  }

</sc_bundles>
